<compile_context>
chip_gen: v7x
topology: tpu7x:2x2x1
jax: 0.10.2.dev20260603
libtpu: 0.0.44.dev20260713+nightly
codegen_flags: <defaults>
</compile_context>

<pallas_src>
import functools

import jax
import jax.numpy as jnp
from jax import lax
from jax.experimental import pallas as pl
from jax.experimental.pallas import tpu as pltpu
from jax.experimental.pallas import tpu_sc as plsc

_R, _C = 16384, 128
_NC, _NS, _L = 2, 16, 16
_NW = _NC * _NS
_RW = _R // _NW
_NCH = 4
_CH = _RW // _NCH

_mesh = plsc.VectorSubcoreMesh(core_axis_name="c", subcore_axis_name="s")


@functools.partial(
    pl.kernel,
    mesh=_mesh,
    out_type=jax.ShapeDtypeStruct((_R, _C), jnp.float32),
    scratch_types=[pltpu.VMEM((_NCH * _CH, _C), jnp.float32)]
    + [pltpu.SemaphoreType.DMA] * (2 * _NCH),
    compiler_params=pltpu.CompilerParams(needs_layout_passes=False),
)
def _sc_kernel(x_hbm, out_hbm, buf, *sems):
    sin = sems[:_NCH]
    sout = sems[_NCH:]
    wid = lax.axis_index("s") * _NC + lax.axis_index("c")
    base = wid * _RW

    in_h = [
        pltpu.async_copy(
            x_hbm.at[pl.ds(base + i * _CH, _CH)],
            buf.at[pl.ds(i * _CH, _CH)],
            sin[i],
        )
        for i in range(_NCH)
    ]

    lanes = lax.iota(jnp.int32, 16)
    c124 = jnp.full((16,), 124, jnp.int32)
    c125 = jnp.full((16,), 125, jnp.int32)
    c126 = jnp.full((16,), 126, jnp.int32)
    c127 = jnp.full((16,), 127, jnp.int32)

    out_h = []
    for i in range(_NCH):
        in_h[i].wait()

        def _group(g, _):
            rows = lanes + (i * _CH + g * _L)
            b = plsc.load_gather(buf, [rows, c124])
            cvb = plsc.load_gather(buf, [rows, c125])
            cvl = plsc.load_gather(buf, [rows, c126])
            qg = plsc.load_gather(buf, [rows, c127])
            c = b / (1.0 / cvb - 1.0)
            d = c / cvl - c
            plsc.store_scatter(buf, [rows, c125], c)
            plsc.store_scatter(buf, [rows, c126], (1.0 - qg) * d)
            plsc.store_scatter(buf, [rows, c127], qg * d)
            return 0

        lax.fori_loop(0, _CH // _L, _group, 0)
        out_h.append(
            pltpu.async_copy(
                buf.at[pl.ds(i * _CH, _CH)],
                out_hbm.at[pl.ds(base + i * _CH, _CH)],
                sout[i],
            )
        )
    for h in out_h:
        h.wait()


def kernel(x):
    return _sc_kernel(x)

# --- scband reference (transcript-rebuilt; emitter-appended) ---
"""Pipeline reference for scband-deep-jet-transform4to4from-nano-11544872092144 (READ-ONLY COPY).

The authoritative reference and input builder live on the scoring server;
editing this copy changes nothing except your own understanding.
"""

import jax, jax.numpy as jnp
import numpy as np

IDX = [124, 125, 126, 127]

def setup_inputs(seed: int = 0) -> dict:
    key = jax.random.key(seed)
    x = jax.random.uniform(key, (16384, 128), dtype=jnp.float32)
    return {"x": x}

def reference(x):
    # torch.index_select(x, 1, idx) with scalar idx -> column kept as [B, 1]
    B = x[:, IDX[0]:IDX[0] + 1]
    CvB = x[:, IDX[1]:IDX[1] + 1]
    CvL = x[:, IDX[2]:IDX[2] + 1]
    QG = x[:, IDX[3]:IDX[3] + 1]
    C = B / (1.0 / CvB - 1.0)
    analytical = jnp.concatenate(
        (B, C, (1.0 - QG) * (C / CvL - C), QG * (C / CvL - C)), axis=1
    )
    if IDX[0] > 0:
        out = jnp.concatenate([x[:, :IDX[0]], analytical], axis=1)
    else:
        out = analytical
    return out

if __name__ == "__main__":
    import jax
    _d = setup_inputs()
    print(jax.jit(kernel)(*tuple(_d.values())))

</pallas_src>

<mosaic_0001>
#map = affine_map<(d0, d1) -> (0, 0)>
module attributes {stable_mosaic.version = 14 : i64} {
  func.func @_sc_kernel(%arg0: i32, %arg1: i32, %arg2: memref<16384x128xf32, #tpu.memory_space<hbm>>, %arg3: memref<16384x128xf32, #tpu.memory_space<hbm>>, %arg4: memref<512x128xf32, #tpu.memory_space<vmem>>, %arg5: memref<!tpu.dma_semaphore, #tpu.memory_space<semaphore_mem>>, %arg6: memref<!tpu.dma_semaphore, #tpu.memory_space<semaphore_mem>>, %arg7: memref<!tpu.dma_semaphore, #tpu.memory_space<semaphore_mem>>, %arg8: memref<!tpu.dma_semaphore, #tpu.memory_space<semaphore_mem>>, %arg9: memref<!tpu.dma_semaphore, #tpu.memory_space<semaphore_mem>>, %arg10: memref<!tpu.dma_semaphore, #tpu.memory_space<semaphore_mem>>, %arg11: memref<!tpu.dma_semaphore, #tpu.memory_space<semaphore_mem>>, %arg12: memref<!tpu.dma_semaphore, #tpu.memory_space<semaphore_mem>>) attributes {dimension_semantics = [#tpu.dimension_semantics<core_parallel>, #tpu.dimension_semantics<subcore_parallel>], iteration_bounds = array<i64: 2, 16>, scalar_prefetch = 0 : i64, scratch_operands = 9 : i64, tpu.core_type = #tpu.core_type<sc_vector_subcore>, window_params = [{transform_indices = #map}, {transform_indices = #map}]} {
    %mul3A = arith.constant 2 : i32
    %mul3A_0 = arith.muli %arg1, %mul3A : i32
    %add3A = arith.addi %mul3A_0, %arg0 : i32
    %mul3A_1 = arith.constant 512 : i32
    %mul3A_2 = arith.muli %add3A, %mul3A_1 : i32
    %add3A_3 = arith.constant 0 : i32
    %add3A_4 = arith.addi %mul3A_2, %add3A_3 : i32
    %dma_start3A = arith.constant 0 : i32
    %dma_start3A_5 = arith.constant 0 : i32
    %dma_start3A_6 = tpu.memref_slice %arg4[%dma_start3A, %dma_start3A_5] : memref<512x128xf32, #tpu.memory_space<vmem>> -> memref<128x128xf32, #tpu.memory_space<vmem>>
    %dma_start3A_7 = arith.constant 0 : i32
    %dma_start3A_8 = tpu.memref_slice %arg2[%add3A_4, %dma_start3A_7] : memref<16384x128xf32, #tpu.memory_space<hbm>> -> memref<128x128xf32, #tpu.memory_space<hbm>>
    %dma_start3A_9 = arith.constant 0 : i32
    %dma_start3A_10 = arith.constant 0 : i32
    %dma_start3A_11 = tpu.memref_slice %arg4[%dma_start3A_9, %dma_start3A_10] : memref<512x128xf32, #tpu.memory_space<vmem>> -> memref<128x128xf32, #tpu.memory_space<vmem>>
    %dma_start3A_12 = arith.constant 0 : i32
    %dma_start3A_13 = tpu.memref_slice %arg2[%add3A_4, %dma_start3A_12] : memref<16384x128xf32, #tpu.memory_space<hbm>> -> memref<128x128xf32, #tpu.memory_space<hbm>>
    tpu.enqueue_dma source(%dma_start3A_13 : memref<128x128xf32, #tpu.memory_space<hbm>>) target(%dma_start3A_11 : memref<128x128xf32, #tpu.memory_space<vmem>>) target_semaphore(%arg5 : memref<!tpu.dma_semaphore, #tpu.memory_space<semaphore_mem>>)
    %add3A_14 = arith.constant 128 : i32
    %add3A_15 = arith.addi %mul3A_2, %add3A_14 : i32
    %dma_start3A_16 = arith.constant 128 : i32
    %dma_start3A_17 = arith.constant 0 : i32
    %dma_start3A_18 = tpu.memref_slice %arg4[%dma_start3A_16, %dma_start3A_17] : memref<512x128xf32, #tpu.memory_space<vmem>> -> memref<128x128xf32, #tpu.memory_space<vmem>>
    %dma_start3A_19 = arith.constant 0 : i32
    %dma_start3A_20 = tpu.memref_slice %arg2[%add3A_15, %dma_start3A_19] : memref<16384x128xf32, #tpu.memory_space<hbm>> -> memref<128x128xf32, #tpu.memory_space<hbm>>
    %dma_start3A_21 = arith.constant 128 : i32
    %dma_start3A_22 = arith.constant 0 : i32
    %dma_start3A_23 = tpu.memref_slice %arg4[%dma_start3A_21, %dma_start3A_22] : memref<512x128xf32, #tpu.memory_space<vmem>> -> memref<128x128xf32, #tpu.memory_space<vmem>>
    %dma_start3A_24 = arith.constant 0 : i32
    %dma_start3A_25 = tpu.memref_slice %arg2[%add3A_15, %dma_start3A_24] : memref<16384x128xf32, #tpu.memory_space<hbm>> -> memref<128x128xf32, #tpu.memory_space<hbm>>
    tpu.enqueue_dma source(%dma_start3A_25 : memref<128x128xf32, #tpu.memory_space<hbm>>) target(%dma_start3A_23 : memref<128x128xf32, #tpu.memory_space<vmem>>) target_semaphore(%arg6 : memref<!tpu.dma_semaphore, #tpu.memory_space<semaphore_mem>>)
    %add3A_26 = arith.constant 256 : i32
    %add3A_27 = arith.addi %mul3A_2, %add3A_26 : i32
    %dma_start3A_28 = arith.constant 256 : i32
    %dma_start3A_29 = arith.constant 0 : i32
    %dma_start3A_30 = tpu.memref_slice %arg4[%dma_start3A_28, %dma_start3A_29] : memref<512x128xf32, #tpu.memory_space<vmem>> -> memref<128x128xf32, #tpu.memory_space<vmem>>
    %dma_start3A_31 = arith.constant 0 : i32
    %dma_start3A_32 = tpu.memref_slice %arg2[%add3A_27, %dma_start3A_31] : memref<16384x128xf32, #tpu.memory_space<hbm>> -> memref<128x128xf32, #tpu.memory_space<hbm>>
    %dma_start3A_33 = arith.constant 256 : i32
    %dma_start3A_34 = arith.constant 0 : i32
    %dma_start3A_35 = tpu.memref_slice %arg4[%dma_start3A_33, %dma_start3A_34] : memref<512x128xf32, #tpu.memory_space<vmem>> -> memref<128x128xf32, #tpu.memory_space<vmem>>
    %dma_start3A_36 = arith.constant 0 : i32
    %dma_start3A_37 = tpu.memref_slice %arg2[%add3A_27, %dma_start3A_36] : memref<16384x128xf32, #tpu.memory_space<hbm>> -> memref<128x128xf32, #tpu.memory_space<hbm>>
    tpu.enqueue_dma source(%dma_start3A_37 : memref<128x128xf32, #tpu.memory_space<hbm>>) target(%dma_start3A_35 : memref<128x128xf32, #tpu.memory_space<vmem>>) target_semaphore(%arg7 : memref<!tpu.dma_semaphore, #tpu.memory_space<semaphore_mem>>)
    %add3A_38 = arith.constant 384 : i32
    %add3A_39 = arith.addi %mul3A_2, %add3A_38 : i32
    %dma_start3A_40 = arith.constant 384 : i32
    %dma_start3A_41 = arith.constant 0 : i32
    %dma_start3A_42 = tpu.memref_slice %arg4[%dma_start3A_40, %dma_start3A_41] : memref<512x128xf32, #tpu.memory_space<vmem>> -> memref<128x128xf32, #tpu.memory_space<vmem>>
    %dma_start3A_43 = arith.constant 0 : i32
    %dma_start3A_44 = tpu.memref_slice %arg2[%add3A_39, %dma_start3A_43] : memref<16384x128xf32, #tpu.memory_space<hbm>> -> memref<128x128xf32, #tpu.memory_space<hbm>>
    %dma_start3A_45 = arith.constant 384 : i32
    %dma_start3A_46 = arith.constant 0 : i32
    %dma_start3A_47 = tpu.memref_slice %arg4[%dma_start3A_45, %dma_start3A_46] : memref<512x128xf32, #tpu.memory_space<vmem>> -> memref<128x128xf32, #tpu.memory_space<vmem>>
    %dma_start3A_48 = arith.constant 0 : i32
    %dma_start3A_49 = tpu.memref_slice %arg2[%add3A_39, %dma_start3A_48] : memref<16384x128xf32, #tpu.memory_space<hbm>> -> memref<128x128xf32, #tpu.memory_space<hbm>>
    tpu.enqueue_dma source(%dma_start3A_49 : memref<128x128xf32, #tpu.memory_space<hbm>>) target(%dma_start3A_47 : memref<128x128xf32, #tpu.memory_space<vmem>>) target_semaphore(%arg8 : memref<!tpu.dma_semaphore, #tpu.memory_space<semaphore_mem>>)
    %iota3A = tpu.iota {dimensions = array<i32: 0>} : vector<16xi32>
    %broadcast_in_dim3A = arith.constant 124 : i32
    %broadcast_in_dim3A_50 = vector.broadcast %broadcast_in_dim3A : i32 to vector<16xi32>
    %broadcast_in_dim3A_51 = arith.constant 125 : i32
    %broadcast_in_dim3A_52 = vector.broadcast %broadcast_in_dim3A_51 : i32 to vector<16xi32>
    %broadcast_in_dim3A_53 = arith.constant 126 : i32
    %broadcast_in_dim3A_54 = vector.broadcast %broadcast_in_dim3A_53 : i32 to vector<16xi32>
    %broadcast_in_dim3A_55 = arith.constant 127 : i32
    %broadcast_in_dim3A_56 = vector.broadcast %broadcast_in_dim3A_55 : i32 to vector<16xi32>
    %dma_wait3A = arith.constant 0 : i32
    %dma_wait3A_57 = arith.constant 0 : i32
    %dma_wait3A_58 = tpu.memref_slice %arg4[%dma_wait3A, %dma_wait3A_57] : memref<512x128xf32, #tpu.memory_space<vmem>> -> memref<128x128xf32, #tpu.memory_space<vmem>>
    %dma_wait3A_59 = arith.constant 0 : i32
    %dma_wait3A_60 = tpu.memref_slice %arg2[%add3A_4, %dma_wait3A_59] : memref<16384x128xf32, #tpu.memory_space<hbm>> -> memref<128x128xf32, #tpu.memory_space<hbm>>
    %dma_wait3A_61 = arith.constant 0 : i32
    %dma_wait3A_62 = arith.constant 0 : i32
    %dma_wait3A_63 = tpu.memref_slice %arg4[%dma_wait3A_61, %dma_wait3A_62] : memref<512x128xf32, #tpu.memory_space<vmem>> -> memref<128x128xf32, #tpu.memory_space<vmem>>
    %dma_wait3A_64 = arith.constant 0 : i32
    %dma_wait3A_65 = tpu.memref_slice %arg2[%add3A_4, %dma_wait3A_64] : memref<16384x128xf32, #tpu.memory_space<hbm>> -> memref<128x128xf32, #tpu.memory_space<hbm>>
    tpu.wait_dma2 semaphore(%arg5 : memref<!tpu.dma_semaphore, #tpu.memory_space<semaphore_mem>>) src(%dma_wait3A_65 : memref<128x128xf32, #tpu.memory_space<hbm>>) dst(%dma_wait3A_63 : memref<128x128xf32, #tpu.memory_space<vmem>>)
    %scan3A = arith.constant 0 : i32
    %scan3A_66 = arith.constant 0 : i32
    %scan3A_67 = arith.constant 8 : i32
    %scan3A_68 = arith.addi %scan3A_66, %scan3A_67 : i32
    %scan3A_69 = arith.constant 1 : i32
    %scan3A_70 = scf.for %scan3A_211 = %scan3A_66 to %scan3A_68 step %scan3A_69 iter_args(%scan3A_212 = %scan3A) -> (i32)  : i32 {
      %mul3A_213 = arith.constant 16 : i32
      %mul3A_214 = arith.muli %scan3A_211, %mul3A_213 : i32
      %add3A_215 = arith.constant 0 : i32
      %add3A_216 = arith.addi %add3A_215, %mul3A_214 : i32
      %add3A_217 = vector.broadcast %add3A_216 : i32 to vector<16xi32>
      %add3A_218 = arith.addi %iota3A, %add3A_217 : vector<16xi32>
      %gather3A = tpu.vector_load_idx %arg4[%add3A_218, %broadcast_in_dim3A_50] : memref<512x128xf32, #tpu.memory_space<vmem>>[vector<16xi32>, vector<16xi32>], vector<16xf32>,
      %gather3A_219 = tpu.vector_load_idx %arg4[%add3A_218, %broadcast_in_dim3A_52] : memref<512x128xf32, #tpu.memory_space<vmem>>[vector<16xi32>, vector<16xi32>], vector<16xf32>,
      %gather3A_220 = tpu.vector_load_idx %arg4[%add3A_218, %broadcast_in_dim3A_54] : memref<512x128xf32, #tpu.memory_space<vmem>>[vector<16xi32>, vector<16xi32>], vector<16xf32>,
      %gather3A_221 = tpu.vector_load_idx %arg4[%add3A_218, %broadcast_in_dim3A_56] : memref<512x128xf32, #tpu.memory_space<vmem>>[vector<16xi32>, vector<16xi32>], vector<16xf32>,
      %div3A = arith.constant 1.000000e+00 : f32
      %div3A_222 = vector.broadcast %div3A : f32 to vector<16xf32>
      %div3A_223 = arith.divf %div3A_222, %gather3A_219 : vector<16xf32>
      %sub3A = arith.constant 1.000000e+00 : f32
      %sub3A_224 = vector.broadcast %sub3A : f32 to vector<16xf32>
      %sub3A_225 = arith.subf %div3A_223, %sub3A_224 : vector<16xf32>
      %div3A_226 = arith.divf %gather3A, %sub3A_225 : vector<16xf32>
      %div3A_227 = arith.divf %div3A_226, %gather3A_220 : vector<16xf32>
      %sub3A_228 = arith.subf %div3A_227, %div3A_226 : vector<16xf32>
      tpu.vector_store_idx %arg4[%add3A_218, %broadcast_in_dim3A_52], %div3A_226 : memref<512x128xf32, #tpu.memory_space<vmem>>[vector<16xi32>, vector<16xi32>], vector<16xf32>,
      %sub3A_229 = arith.constant 1.000000e+00 : f32
      %sub3A_230 = vector.broadcast %sub3A_229 : f32 to vector<16xf32>
      %sub3A_231 = arith.subf %sub3A_230, %gather3A_221 : vector<16xf32>
      %mul3A_232 = arith.mulf %sub3A_231, %sub3A_228 : vector<16xf32>
      tpu.vector_store_idx %arg4[%add3A_218, %broadcast_in_dim3A_54], %mul3A_232 : memref<512x128xf32, #tpu.memory_space<vmem>>[vector<16xi32>, vector<16xi32>], vector<16xf32>,
      %mul3A_233 = arith.mulf %gather3A_221, %sub3A_228 : vector<16xf32>
      tpu.vector_store_idx %arg4[%add3A_218, %broadcast_in_dim3A_56], %mul3A_233 : memref<512x128xf32, #tpu.memory_space<vmem>>[vector<16xi32>, vector<16xi32>], vector<16xf32>,
      %scan3A_234 = arith.constant 0 : i32
      scf.yield %scan3A_234 : i32
    }
    %scan3A_71 = arith.constant 8 : i32
    %add3A_72 = arith.constant 0 : i32
    %add3A_73 = arith.addi %mul3A_2, %add3A_72 : i32
    %dma_start3A_74 = arith.constant 0 : i32
    %dma_start3A_75 = arith.constant 0 : i32
    %dma_start3A_76 = tpu.memref_slice %arg4[%dma_start3A_74, %dma_start3A_75] : memref<512x128xf32, #tpu.memory_space<vmem>> -> memref<128x128xf32, #tpu.memory_space<vmem>>
    %dma_start3A_77 = arith.constant 0 : i32
    %dma_start3A_78 = tpu.memref_slice %arg3[%add3A_73, %dma_start3A_77] : memref<16384x128xf32, #tpu.memory_space<hbm>> -> memref<128x128xf32, #tpu.memory_space<hbm>>
    %dma_start3A_79 = arith.constant 0 : i32
    %dma_start3A_80 = tpu.memref_slice %arg3[%add3A_73, %dma_start3A_79] : memref<16384x128xf32, #tpu.memory_space<hbm>> -> memref<128x128xf32, #tpu.memory_space<hbm>>
    %dma_start3A_81 = arith.constant 0 : i32
    %dma_start3A_82 = arith.constant 0 : i32
    %dma_start3A_83 = tpu.memref_slice %arg4[%dma_start3A_81, %dma_start3A_82] : memref<512x128xf32, #tpu.memory_space<vmem>> -> memref<128x128xf32, #tpu.memory_space<vmem>>
    tpu.enqueue_dma source(%dma_start3A_83 : memref<128x128xf32, #tpu.memory_space<vmem>>) target(%dma_start3A_80 : memref<128x128xf32, #tpu.memory_space<hbm>>) target_semaphore(%arg9 : memref<!tpu.dma_semaphore, #tpu.memory_space<semaphore_mem>>)
    %dma_wait3A_84 = arith.constant 128 : i32
    %dma_wait3A_85 = arith.constant 0 : i32
    %dma_wait3A_86 = tpu.memref_slice %arg4[%dma_wait3A_84, %dma_wait3A_85] : memref<512x128xf32, #tpu.memory_space<vmem>> -> memref<128x128xf32, #tpu.memory_space<vmem>>
    %dma_wait3A_87 = arith.constant 0 : i32
    %dma_wait3A_88 = tpu.memref_slice %arg2[%add3A_15, %dma_wait3A_87] : memref<16384x128xf32, #tpu.memory_space<hbm>> -> memref<128x128xf32, #tpu.memory_space<hbm>>
    %dma_wait3A_89 = arith.constant 128 : i32
    %dma_wait3A_90 = arith.constant 0 : i32
    %dma_wait3A_91 = tpu.memref_slice %arg4[%dma_wait3A_89, %dma_wait3A_90] : memref<512x128xf32, #tpu.memory_space<vmem>> -> memref<128x128xf32, #tpu.memory_space<vmem>>
    %dma_wait3A_92 = arith.constant 0 : i32
    %dma_wait3A_93 = tpu.memref_slice %arg2[%add3A_15, %dma_wait3A_92] : memref<16384x128xf32, #tpu.memory_space<hbm>> -> memref<128x128xf32, #tpu.memory_space<hbm>>
    tpu.wait_dma2 semaphore(%arg6 : memref<!tpu.dma_semaphore, #tpu.memory_space<semaphore_mem>>) src(%dma_wait3A_93 : memref<128x128xf32, #tpu.memory_space<hbm>>) dst(%dma_wait3A_91 : memref<128x128xf32, #tpu.memory_space<vmem>>)
    %scan3A_94 = arith.constant 0 : i32
    %scan3A_95 = arith.constant 0 : i32
    %scan3A_96 = arith.constant 8 : i32
    %scan3A_97 = arith.addi %scan3A_95, %scan3A_96 : i32
    %scan3A_98 = arith.constant 1 : i32
    %scan3A_99 = scf.for %scan3A_211 = %scan3A_95 to %scan3A_97 step %scan3A_98 iter_args(%scan3A_212 = %scan3A_94) -> (i32)  : i32 {
      %mul3A_213 = arith.constant 16 : i32
      %mul3A_214 = arith.muli %scan3A_211, %mul3A_213 : i32
      %add3A_215 = arith.constant 128 : i32
      %add3A_216 = arith.addi %add3A_215, %mul3A_214 : i32
      %add3A_217 = vector.broadcast %add3A_216 : i32 to vector<16xi32>
      %add3A_218 = arith.addi %iota3A, %add3A_217 : vector<16xi32>
      %gather3A = tpu.vector_load_idx %arg4[%add3A_218, %broadcast_in_dim3A_50] : memref<512x128xf32, #tpu.memory_space<vmem>>[vector<16xi32>, vector<16xi32>], vector<16xf32>,
      %gather3A_219 = tpu.vector_load_idx %arg4[%add3A_218, %broadcast_in_dim3A_52] : memref<512x128xf32, #tpu.memory_space<vmem>>[vector<16xi32>, vector<16xi32>], vector<16xf32>,
      %gather3A_220 = tpu.vector_load_idx %arg4[%add3A_218, %broadcast_in_dim3A_54] : memref<512x128xf32, #tpu.memory_space<vmem>>[vector<16xi32>, vector<16xi32>], vector<16xf32>,
      %gather3A_221 = tpu.vector_load_idx %arg4[%add3A_218, %broadcast_in_dim3A_56] : memref<512x128xf32, #tpu.memory_space<vmem>>[vector<16xi32>, vector<16xi32>], vector<16xf32>,
      %div3A = arith.constant 1.000000e+00 : f32
      %div3A_222 = vector.broadcast %div3A : f32 to vector<16xf32>
      %div3A_223 = arith.divf %div3A_222, %gather3A_219 : vector<16xf32>
      %sub3A = arith.constant 1.000000e+00 : f32
      %sub3A_224 = vector.broadcast %sub3A : f32 to vector<16xf32>
      %sub3A_225 = arith.subf %div3A_223, %sub3A_224 : vector<16xf32>
      %div3A_226 = arith.divf %gather3A, %sub3A_225 : vector<16xf32>
      %div3A_227 = arith.divf %div3A_226, %gather3A_220 : vector<16xf32>
      %sub3A_228 = arith.subf %div3A_227, %div3A_226 : vector<16xf32>
      tpu.vector_store_idx %arg4[%add3A_218, %broadcast_in_dim3A_52], %div3A_226 : memref<512x128xf32, #tpu.memory_space<vmem>>[vector<16xi32>, vector<16xi32>], vector<16xf32>,
      %sub3A_229 = arith.constant 1.000000e+00 : f32
      %sub3A_230 = vector.broadcast %sub3A_229 : f32 to vector<16xf32>
      %sub3A_231 = arith.subf %sub3A_230, %gather3A_221 : vector<16xf32>
      %mul3A_232 = arith.mulf %sub3A_231, %sub3A_228 : vector<16xf32>
      tpu.vector_store_idx %arg4[%add3A_218, %broadcast_in_dim3A_54], %mul3A_232 : memref<512x128xf32, #tpu.memory_space<vmem>>[vector<16xi32>, vector<16xi32>], vector<16xf32>,
      %mul3A_233 = arith.mulf %gather3A_221, %sub3A_228 : vector<16xf32>
      tpu.vector_store_idx %arg4[%add3A_218, %broadcast_in_dim3A_56], %mul3A_233 : memref<512x128xf32, #tpu.memory_space<vmem>>[vector<16xi32>, vector<16xi32>], vector<16xf32>,
      %scan3A_234 = arith.constant 0 : i32
      scf.yield %scan3A_234 : i32
    }
    %scan3A_100 = arith.constant 8 : i32
    %add3A_101 = arith.constant 128 : i32
    %add3A_102 = arith.addi %mul3A_2, %add3A_101 : i32
    %dma_start3A_103 = arith.constant 128 : i32
    %dma_start3A_104 = arith.constant 0 : i32
    %dma_start3A_105 = tpu.memref_slice %arg4[%dma_start3A_103, %dma_start3A_104] : memref<512x128xf32, #tpu.memory_space<vmem>> -> memref<128x128xf32, #tpu.memory_space<vmem>>
    %dma_start3A_106 = arith.constant 0 : i32
    %dma_start3A_107 = tpu.memref_slice %arg3[%add3A_102, %dma_start3A_106] : memref<16384x128xf32, #tpu.memory_space<hbm>> -> memref<128x128xf32, #tpu.memory_space<hbm>>
    %dma_start3A_108 = arith.constant 0 : i32
    %dma_start3A_109 = tpu.memref_slice %arg3[%add3A_102, %dma_start3A_108] : memref<16384x128xf32, #tpu.memory_space<hbm>> -> memref<128x128xf32, #tpu.memory_space<hbm>>
    %dma_start3A_110 = arith.constant 128 : i32
    %dma_start3A_111 = arith.constant 0 : i32
    %dma_start3A_112 = tpu.memref_slice %arg4[%dma_start3A_110, %dma_start3A_111] : memref<512x128xf32, #tpu.memory_space<vmem>> -> memref<128x128xf32, #tpu.memory_space<vmem>>
    tpu.enqueue_dma source(%dma_start3A_112 : memref<128x128xf32, #tpu.memory_space<vmem>>) target(%dma_start3A_109 : memref<128x128xf32, #tpu.memory_space<hbm>>) target_semaphore(%arg10 : memref<!tpu.dma_semaphore, #tpu.memory_space<semaphore_mem>>)
    %dma_wait3A_113 = arith.constant 256 : i32
    %dma_wait3A_114 = arith.constant 0 : i32
    %dma_wait3A_115 = tpu.memref_slice %arg4[%dma_wait3A_113, %dma_wait3A_114] : memref<512x128xf32, #tpu.memory_space<vmem>> -> memref<128x128xf32, #tpu.memory_space<vmem>>
    %dma_wait3A_116 = arith.constant 0 : i32
    %dma_wait3A_117 = tpu.memref_slice %arg2[%add3A_27, %dma_wait3A_116] : memref<16384x128xf32, #tpu.memory_space<hbm>> -> memref<128x128xf32, #tpu.memory_space<hbm>>
    %dma_wait3A_118 = arith.constant 256 : i32
    %dma_wait3A_119 = arith.constant 0 : i32
    %dma_wait3A_120 = tpu.memref_slice %arg4[%dma_wait3A_118, %dma_wait3A_119] : memref<512x128xf32, #tpu.memory_space<vmem>> -> memref<128x128xf32, #tpu.memory_space<vmem>>
    %dma_wait3A_121 = arith.constant 0 : i32
    %dma_wait3A_122 = tpu.memref_slice %arg2[%add3A_27, %dma_wait3A_121] : memref<16384x128xf32, #tpu.memory_space<hbm>> -> memref<128x128xf32, #tpu.memory_space<hbm>>
    tpu.wait_dma2 semaphore(%arg7 : memref<!tpu.dma_semaphore, #tpu.memory_space<semaphore_mem>>) src(%dma_wait3A_122 : memref<128x128xf32, #tpu.memory_space<hbm>>) dst(%dma_wait3A_120 : memref<128x128xf32, #tpu.memory_space<vmem>>)
    %scan3A_123 = arith.constant 0 : i32
    %scan3A_124 = arith.constant 0 : i32
    %scan3A_125 = arith.constant 8 : i32
    %scan3A_126 = arith.addi %scan3A_124, %scan3A_125 : i32
    %scan3A_127 = arith.constant 1 : i32
    %scan3A_128 = scf.for %scan3A_211 = %scan3A_124 to %scan3A_126 step %scan3A_127 iter_args(%scan3A_212 = %scan3A_123) -> (i32)  : i32 {
      %mul3A_213 = arith.constant 16 : i32
      %mul3A_214 = arith.muli %scan3A_211, %mul3A_213 : i32
      %add3A_215 = arith.constant 256 : i32
      %add3A_216 = arith.addi %add3A_215, %mul3A_214 : i32
      %add3A_217 = vector.broadcast %add3A_216 : i32 to vector<16xi32>
      %add3A_218 = arith.addi %iota3A, %add3A_217 : vector<16xi32>
      %gather3A = tpu.vector_load_idx %arg4[%add3A_218, %broadcast_in_dim3A_50] : memref<512x128xf32, #tpu.memory_space<vmem>>[vector<16xi32>, vector<16xi32>], vector<16xf32>,
      %gather3A_219 = tpu.vector_load_idx %arg4[%add3A_218, %broadcast_in_dim3A_52] : memref<512x128xf32, #tpu.memory_space<vmem>>[vector<16xi32>, vector<16xi32>], vector<16xf32>,
      %gather3A_220 = tpu.vector_load_idx %arg4[%add3A_218, %broadcast_in_dim3A_54] : memref<512x128xf32, #tpu.memory_space<vmem>>[vector<16xi32>, vector<16xi32>], vector<16xf32>,
      %gather3A_221 = tpu.vector_load_idx %arg4[%add3A_218, %broadcast_in_dim3A_56] : memref<512x128xf32, #tpu.memory_space<vmem>>[vector<16xi32>, vector<16xi32>], vector<16xf32>,
      %div3A = arith.constant 1.000000e+00 : f32
      %div3A_222 = vector.broadcast %div3A : f32 to vector<16xf32>
      %div3A_223 = arith.divf %div3A_222, %gather3A_219 : vector<16xf32>
      %sub3A = arith.constant 1.000000e+00 : f32
      %sub3A_224 = vector.broadcast %sub3A : f32 to vector<16xf32>
      %sub3A_225 = arith.subf %div3A_223, %sub3A_224 : vector<16xf32>
      %div3A_226 = arith.divf %gather3A, %sub3A_225 : vector<16xf32>
      %div3A_227 = arith.divf %div3A_226, %gather3A_220 : vector<16xf32>
      %sub3A_228 = arith.subf %div3A_227, %div3A_226 : vector<16xf32>
      tpu.vector_store_idx %arg4[%add3A_218, %broadcast_in_dim3A_52], %div3A_226 : memref<512x128xf32, #tpu.memory_space<vmem>>[vector<16xi32>, vector<16xi32>], vector<16xf32>,
      %sub3A_229 = arith.constant 1.000000e+00 : f32
      %sub3A_230 = vector.broadcast %sub3A_229 : f32 to vector<16xf32>
      %sub3A_231 = arith.subf %sub3A_230, %gather3A_221 : vector<16xf32>
      %mul3A_232 = arith.mulf %sub3A_231, %sub3A_228 : vector<16xf32>
      tpu.vector_store_idx %arg4[%add3A_218, %broadcast_in_dim3A_54], %mul3A_232 : memref<512x128xf32, #tpu.memory_space<vmem>>[vector<16xi32>, vector<16xi32>], vector<16xf32>,
      %mul3A_233 = arith.mulf %gather3A_221, %sub3A_228 : vector<16xf32>
      tpu.vector_store_idx %arg4[%add3A_218, %broadcast_in_dim3A_56], %mul3A_233 : memref<512x128xf32, #tpu.memory_space<vmem>>[vector<16xi32>, vector<16xi32>], vector<16xf32>,
      %scan3A_234 = arith.constant 0 : i32
      scf.yield %scan3A_234 : i32
    }
    %scan3A_129 = arith.constant 8 : i32
    %add3A_130 = arith.constant 256 : i32
    %add3A_131 = arith.addi %mul3A_2, %add3A_130 : i32
    %dma_start3A_132 = arith.constant 256 : i32
    %dma_start3A_133 = arith.constant 0 : i32
    %dma_start3A_134 = tpu.memref_slice %arg4[%dma_start3A_132, %dma_start3A_133] : memref<512x128xf32, #tpu.memory_space<vmem>> -> memref<128x128xf32, #tpu.memory_space<vmem>>
    %dma_start3A_135 = arith.constant 0 : i32
    %dma_start3A_136 = tpu.memref_slice %arg3[%add3A_131, %dma_start3A_135] : memref<16384x128xf32, #tpu.memory_space<hbm>> -> memref<128x128xf32, #tpu.memory_space<hbm>>
    %dma_start3A_137 = arith.constant 0 : i32
    %dma_start3A_138 = tpu.memref_slice %arg3[%add3A_131, %dma_start3A_137] : memref<16384x128xf32, #tpu.memory_space<hbm>> -> memref<128x128xf32, #tpu.memory_space<hbm>>
    %dma_start3A_139 = arith.constant 256 : i32
    %dma_start3A_140 = arith.constant 0 : i32
    %dma_start3A_141 = tpu.memref_slice %arg4[%dma_start3A_139, %dma_start3A_140] : memref<512x128xf32, #tpu.memory_space<vmem>> -> memref<128x128xf32, #tpu.memory_space<vmem>>
    tpu.enqueue_dma source(%dma_start3A_141 : memref<128x128xf32, #tpu.memory_space<vmem>>) target(%dma_start3A_138 : memref<128x128xf32, #tpu.memory_space<hbm>>) target_semaphore(%arg11 : memref<!tpu.dma_semaphore, #tpu.memory_space<semaphore_mem>>)
    %dma_wait3A_142 = arith.constant 384 : i32
    %dma_wait3A_143 = arith.constant 0 : i32
    %dma_wait3A_144 = tpu.memref_slice %arg4[%dma_wait3A_142, %dma_wait3A_143] : memref<512x128xf32, #tpu.memory_space<vmem>> -> memref<128x128xf32, #tpu.memory_space<vmem>>
    %dma_wait3A_145 = arith.constant 0 : i32
    %dma_wait3A_146 = tpu.memref_slice %arg2[%add3A_39, %dma_wait3A_145] : memref<16384x128xf32, #tpu.memory_space<hbm>> -> memref<128x128xf32, #tpu.memory_space<hbm>>
    %dma_wait3A_147 = arith.constant 384 : i32
    %dma_wait3A_148 = arith.constant 0 : i32
    %dma_wait3A_149 = tpu.memref_slice %arg4[%dma_wait3A_147, %dma_wait3A_148] : memref<512x128xf32, #tpu.memory_space<vmem>> -> memref<128x128xf32, #tpu.memory_space<vmem>>
    %dma_wait3A_150 = arith.constant 0 : i32
    %dma_wait3A_151 = tpu.memref_slice %arg2[%add3A_39, %dma_wait3A_150] : memref<16384x128xf32, #tpu.memory_space<hbm>> -> memref<128x128xf32, #tpu.memory_space<hbm>>
    tpu.wait_dma2 semaphore(%arg8 : memref<!tpu.dma_semaphore, #tpu.memory_space<semaphore_mem>>) src(%dma_wait3A_151 : memref<128x128xf32, #tpu.memory_space<hbm>>) dst(%dma_wait3A_149 : memref<128x128xf32, #tpu.memory_space<vmem>>)
    %scan3A_152 = arith.constant 0 : i32
    %scan3A_153 = arith.constant 0 : i32
    %scan3A_154 = arith.constant 8 : i32
    %scan3A_155 = arith.addi %scan3A_153, %scan3A_154 : i32
    %scan3A_156 = arith.constant 1 : i32
    %scan3A_157 = scf.for %scan3A_211 = %scan3A_153 to %scan3A_155 step %scan3A_156 iter_args(%scan3A_212 = %scan3A_152) -> (i32)  : i32 {
      %mul3A_213 = arith.constant 16 : i32
      %mul3A_214 = arith.muli %scan3A_211, %mul3A_213 : i32
      %add3A_215 = arith.constant 384 : i32
      %add3A_216 = arith.addi %add3A_215, %mul3A_214 : i32
      %add3A_217 = vector.broadcast %add3A_216 : i32 to vector<16xi32>
      %add3A_218 = arith.addi %iota3A, %add3A_217 : vector<16xi32>
      %gather3A = tpu.vector_load_idx %arg4[%add3A_218, %broadcast_in_dim3A_50] : memref<512x128xf32, #tpu.memory_space<vmem>>[vector<16xi32>, vector<16xi32>], vector<16xf32>,
      %gather3A_219 = tpu.vector_load_idx %arg4[%add3A_218, %broadcast_in_dim3A_52] : memref<512x128xf32, #tpu.memory_space<vmem>>[vector<16xi32>, vector<16xi32>], vector<16xf32>,
      %gather3A_220 = tpu.vector_load_idx %arg4[%add3A_218, %broadcast_in_dim3A_54] : memref<512x128xf32, #tpu.memory_space<vmem>>[vector<16xi32>, vector<16xi32>], vector<16xf32>,
      %gather3A_221 = tpu.vector_load_idx %arg4[%add3A_218, %broadcast_in_dim3A_56] : memref<512x128xf32, #tpu.memory_space<vmem>>[vector<16xi32>, vector<16xi32>], vector<16xf32>,
      %div3A = arith.constant 1.000000e+00 : f32
      %div3A_222 = vector.broadcast %div3A : f32 to vector<16xf32>
      %div3A_223 = arith.divf %div3A_222, %gather3A_219 : vector<16xf32>
      %sub3A = arith.constant 1.000000e+00 : f32
      %sub3A_224 = vector.broadcast %sub3A : f32 to vector<16xf32>
      %sub3A_225 = arith.subf %div3A_223, %sub3A_224 : vector<16xf32>
      %div3A_226 = arith.divf %gather3A, %sub3A_225 : vector<16xf32>
      %div3A_227 = arith.divf %div3A_226, %gather3A_220 : vector<16xf32>
      %sub3A_228 = arith.subf %div3A_227, %div3A_226 : vector<16xf32>
      tpu.vector_store_idx %arg4[%add3A_218, %broadcast_in_dim3A_52], %div3A_226 : memref<512x128xf32, #tpu.memory_space<vmem>>[vector<16xi32>, vector<16xi32>], vector<16xf32>,
      %sub3A_229 = arith.constant 1.000000e+00 : f32
      %sub3A_230 = vector.broadcast %sub3A_229 : f32 to vector<16xf32>
      %sub3A_231 = arith.subf %sub3A_230, %gather3A_221 : vector<16xf32>
      %mul3A_232 = arith.mulf %sub3A_231, %sub3A_228 : vector<16xf32>
      tpu.vector_store_idx %arg4[%add3A_218, %broadcast_in_dim3A_54], %mul3A_232 : memref<512x128xf32, #tpu.memory_space<vmem>>[vector<16xi32>, vector<16xi32>], vector<16xf32>,
      %mul3A_233 = arith.mulf %gather3A_221, %sub3A_228 : vector<16xf32>
      tpu.vector_store_idx %arg4[%add3A_218, %broadcast_in_dim3A_56], %mul3A_233 : memref<512x128xf32, #tpu.memory_space<vmem>>[vector<16xi32>, vector<16xi32>], vector<16xf32>,
      %scan3A_234 = arith.constant 0 : i32
      scf.yield %scan3A_234 : i32
    }
    %scan3A_158 = arith.constant 8 : i32
    %add3A_159 = arith.constant 384 : i32
    %add3A_160 = arith.addi %mul3A_2, %add3A_159 : i32
    %dma_start3A_161 = arith.constant 384 : i32
    %dma_start3A_162 = arith.constant 0 : i32
    %dma_start3A_163 = tpu.memref_slice %arg4[%dma_start3A_161, %dma_start3A_162] : memref<512x128xf32, #tpu.memory_space<vmem>> -> memref<128x128xf32, #tpu.memory_space<vmem>>
    %dma_start3A_164 = arith.constant 0 : i32
    %dma_start3A_165 = tpu.memref_slice %arg3[%add3A_160, %dma_start3A_164] : memref<16384x128xf32, #tpu.memory_space<hbm>> -> memref<128x128xf32, #tpu.memory_space<hbm>>
    %dma_start3A_166 = arith.constant 0 : i32
    %dma_start3A_167 = tpu.memref_slice %arg3[%add3A_160, %dma_start3A_166] : memref<16384x128xf32, #tpu.memory_space<hbm>> -> memref<128x128xf32, #tpu.memory_space<hbm>>
    %dma_start3A_168 = arith.constant 384 : i32
    %dma_start3A_169 = arith.constant 0 : i32
    %dma_start3A_170 = tpu.memref_slice %arg4[%dma_start3A_168, %dma_start3A_169] : memref<512x128xf32, #tpu.memory_space<vmem>> -> memref<128x128xf32, #tpu.memory_space<vmem>>
    tpu.enqueue_dma source(%dma_start3A_170 : memref<128x128xf32, #tpu.memory_space<vmem>>) target(%dma_start3A_167 : memref<128x128xf32, #tpu.memory_space<hbm>>) target_semaphore(%arg12 : memref<!tpu.dma_semaphore, #tpu.memory_space<semaphore_mem>>)
    %dma_wait3A_171 = arith.constant 0 : i32
    %dma_wait3A_172 = arith.constant 0 : i32
    %dma_wait3A_173 = tpu.memref_slice %arg4[%dma_wait3A_171, %dma_wait3A_172] : memref<512x128xf32, #tpu.memory_space<vmem>> -> memref<128x128xf32, #tpu.memory_space<vmem>>
    %dma_wait3A_174 = arith.constant 0 : i32
    %dma_wait3A_175 = tpu.memref_slice %arg3[%add3A_73, %dma_wait3A_174] : memref<16384x128xf32, #tpu.memory_space<hbm>> -> memref<128x128xf32, #tpu.memory_space<hbm>>
    %dma_wait3A_176 = arith.constant 0 : i32
    %dma_wait3A_177 = tpu.memref_slice %arg3[%add3A_73, %dma_wait3A_176] : memref<16384x128xf32, #tpu.memory_space<hbm>> -> memref<128x128xf32, #tpu.memory_space<hbm>>
    %dma_wait3A_178 = arith.constant 0 : i32
    %dma_wait3A_179 = arith.constant 0 : i32
    %dma_wait3A_180 = tpu.memref_slice %arg4[%dma_wait3A_178, %dma_wait3A_179] : memref<512x128xf32, #tpu.memory_space<vmem>> -> memref<128x128xf32, #tpu.memory_space<vmem>>
    tpu.wait_dma2 semaphore(%arg9 : memref<!tpu.dma_semaphore, #tpu.memory_space<semaphore_mem>>) src(%dma_wait3A_180 : memref<128x128xf32, #tpu.memory_space<vmem>>) dst(%dma_wait3A_177 : memref<128x128xf32, #tpu.memory_space<hbm>>)
    %dma_wait3A_181 = arith.constant 128 : i32
    %dma_wait3A_182 = arith.constant 0 : i32
    %dma_wait3A_183 = tpu.memref_slice %arg4[%dma_wait3A_181, %dma_wait3A_182] : memref<512x128xf32, #tpu.memory_space<vmem>> -> memref<128x128xf32, #tpu.memory_space<vmem>>
    %dma_wait3A_184 = arith.constant 0 : i32
    %dma_wait3A_185 = tpu.memref_slice %arg3[%add3A_102, %dma_wait3A_184] : memref<16384x128xf32, #tpu.memory_space<hbm>> -> memref<128x128xf32, #tpu.memory_space<hbm>>
    %dma_wait3A_186 = arith.constant 0 : i32
    %dma_wait3A_187 = tpu.memref_slice %arg3[%add3A_102, %dma_wait3A_186] : memref<16384x128xf32, #tpu.memory_space<hbm>> -> memref<128x128xf32, #tpu.memory_space<hbm>>
    %dma_wait3A_188 = arith.constant 128 : i32
    %dma_wait3A_189 = arith.constant 0 : i32
    %dma_wait3A_190 = tpu.memref_slice %arg4[%dma_wait3A_188, %dma_wait3A_189] : memref<512x128xf32, #tpu.memory_space<vmem>> -> memref<128x128xf32, #tpu.memory_space<vmem>>
    tpu.wait_dma2 semaphore(%arg10 : memref<!tpu.dma_semaphore, #tpu.memory_space<semaphore_mem>>) src(%dma_wait3A_190 : memref<128x128xf32, #tpu.memory_space<vmem>>) dst(%dma_wait3A_187 : memref<128x128xf32, #tpu.memory_space<hbm>>)
    %dma_wait3A_191 = arith.constant 256 : i32
    %dma_wait3A_192 = arith.constant 0 : i32
    %dma_wait3A_193 = tpu.memref_slice %arg4[%dma_wait3A_191, %dma_wait3A_192] : memref<512x128xf32, #tpu.memory_space<vmem>> -> memref<128x128xf32, #tpu.memory_space<vmem>>
    %dma_wait3A_194 = arith.constant 0 : i32
    %dma_wait3A_195 = tpu.memref_slice %arg3[%add3A_131, %dma_wait3A_194] : memref<16384x128xf32, #tpu.memory_space<hbm>> -> memref<128x128xf32, #tpu.memory_space<hbm>>
    %dma_wait3A_196 = arith.constant 0 : i32
    %dma_wait3A_197 = tpu.memref_slice %arg3[%add3A_131, %dma_wait3A_196] : memref<16384x128xf32, #tpu.memory_space<hbm>> -> memref<128x128xf32, #tpu.memory_space<hbm>>
    %dma_wait3A_198 = arith.constant 256 : i32
    %dma_wait3A_199 = arith.constant 0 : i32
    %dma_wait3A_200 = tpu.memref_slice %arg4[%dma_wait3A_198, %dma_wait3A_199] : memref<512x128xf32, #tpu.memory_space<vmem>> -> memref<128x128xf32, #tpu.memory_space<vmem>>
    tpu.wait_dma2 semaphore(%arg11 : memref<!tpu.dma_semaphore, #tpu.memory_space<semaphore_mem>>) src(%dma_wait3A_200 : memref<128x128xf32, #tpu.memory_space<vmem>>) dst(%dma_wait3A_197 : memref<128x128xf32, #tpu.memory_space<hbm>>)
    %dma_wait3A_201 = arith.constant 384 : i32
    %dma_wait3A_202 = arith.constant 0 : i32
    %dma_wait3A_203 = tpu.memref_slice %arg4[%dma_wait3A_201, %dma_wait3A_202] : memref<512x128xf32, #tpu.memory_space<vmem>> -> memref<128x128xf32, #tpu.memory_space<vmem>>
    %dma_wait3A_204 = arith.constant 0 : i32
    %dma_wait3A_205 = tpu.memref_slice %arg3[%add3A_160, %dma_wait3A_204] : memref<16384x128xf32, #tpu.memory_space<hbm>> -> memref<128x128xf32, #tpu.memory_space<hbm>>
    %dma_wait3A_206 = arith.constant 0 : i32
    %dma_wait3A_207 = tpu.memref_slice %arg3[%add3A_160, %dma_wait3A_206] : memref<16384x128xf32, #tpu.memory_space<hbm>> -> memref<128x128xf32, #tpu.memory_space<hbm>>
    %dma_wait3A_208 = arith.constant 384 : i32
    %dma_wait3A_209 = arith.constant 0 : i32
    %dma_wait3A_210 = tpu.memref_slice %arg4[%dma_wait3A_208, %dma_wait3A_209] : memref<512x128xf32, #tpu.memory_space<vmem>> -> memref<128x128xf32, #tpu.memory_space<vmem>>
    tpu.wait_dma2 semaphore(%arg12 : memref<!tpu.dma_semaphore, #tpu.memory_space<semaphore_mem>>) src(%dma_wait3A_210 : memref<128x128xf32, #tpu.memory_space<vmem>>) dst(%dma_wait3A_207 : memref<128x128xf32, #tpu.memory_space<hbm>>)
    return
  }
}

</mosaic_0001>

<sc_bundles>
// kernel: kernel.3.cloned.1.call-start
scs
__scs_entry_jumppad:
0x0: {  	(pc) =	sbr.rel $0x88, $3  }
0x1: {  	(tag) =	ssettag $0x0;
	lr =	simm.s32 $0x1  }
0x2: {  	[smem:$0x3FA0] =	sst lr;
	_ =	strace $0xD0000000  }
0x3: {  	_ = 	snop  }
0x4: {  	_ = 	snop  }
0x5: {  	_ = 	snop  }
0x6: {  	_ = 	snop  }
0x7: {  	_ = 	snop  }
__scs_overlays_trampoline_lowered:
0x8: {  	[smem:$0x3FAF] =	sst s0  }
0x9: {  	[smem:$0x3FB0] =	sst s1  }
0xa: {  	[smem:$0x3FB1] =	sst s2  }
0xb: {  	[smem:$0x3FB2] =	sst s3  }
0xc: {  	[smem:$0x3FB3] =	sst s4  }
0xd: {  	[smem:$0x3FB4] =	sst s5  }
0xe: {  	[smem:$0x3FB5] =	sst s6  }
0xf: {  	[smem:$0x3FB6] =	sst s7  }
0x10: {  	[smem:$0x3FB7] =	sst s8  }
0x11: {  	[smem:$0x3FB8] =	sst s9;
	s0 =	simm.s32 @!p0 $0x0  }
0x12: {  	s1 =	sld [smem:$0x3F9E];
	s0 =	simm.s32 @p0 $0x1  }
0x13: {  	[smem:$0x3FB9] =	sst s0;
	s0 =	simm.s32 @!p1 $0x0  }
0x14: {  	s2 =	sld [smem:$0x3F9D];
	s0 =	simm.s32 @p1 $0x1  }
0x15: {  	[smem:$0x3FBA] =	sst s0;
	s0 =	simm.s32 @!p2 $0x0  }
0x16: {  	s3 =	sld [smem:$0x3FDB];
	s0 =	simm.s32 @p2 $0x1  }
0x17: {  	s4 =	simm.s32 $0x1BF5;
	[smem:$0x3FBC] =	sst s0  }
0x18: {  	s0 =	sld [smem:$0x3F9F];
	_ =	swait.ge [sflag:s4], $0x0  }
0x19: {  	s7 =	sld [smem:$0x3FA0]  }
0x1a: {  	s8 =	sadd.s32 $0xFFFFE003, lr  }
0x1b: {  	s9 =	sadd.s32 $0xFFFFFEF7, lr;
	s5 =	simm.s32 $0xFFFFFFFF;
	p2 =	slt.u32 s8, $0xFFFFF086  }
0x1c: {  	p1 =	slt.u32 s9, $0xF7A;
	s5 =	simm.s32 @!p2 $0x0  }
0x1d: {  	s5 =	simm.s32 @p1 $0x1;
	p0 =	seq.s32 s7, s2  }
0x1e: {  	s7 =	smul.u32 @!p0 $0xF7A, s2;
	p2 =	seq.s32 @!p0 s5, $0x0  }
0x1f: {  	s9 =	smul.u32 $0xF7A, s1;
	s8 =	simm.s32 @!p0 $0x1BF5;
	p2 =	por !p2, p0  }
0x20: {  	[sflag:s8] =	ssyncset.s32 @!p0 $0xFFFFF086;
	s6 =	sadd.s32 @!p0 s3, s7;
	s7 =	simm.s32 @!p0 $0x108  }
0x21: {  	s3 =	sadd.s32 s3, s9;
	s6 =	sadd.s32 @!p0 $0x88, s6;
	s7 =	simm.s32 @p2 $0x1082  }
0x22: {  	[simem:s7], [sflag:s8] =	dma.local @!p0 [hbm:s6], $0xF7A  }
0x23: {  	s9 =	sor.u32 $0xD0000000, s2;
	s6 =	simm.s32 $0x108;
	_ =	swait.ge @!p0 [sflag:s8], $0x0  }
0x24: {  	s3 =	sadd.s32 $0x88, s3;
	s6 =	simm.s32 @!p1 $0x1082;
	[sflag:s4] =	ssyncset.s32 $0xFFFFF086  }
0x25: {  	[simem:s6], [sflag:s4] =	dma.local [hbm:s3], $0xF7A  }
0x26: {  	[smem:$0x3FA0] =	sst s1;
	(tag) =	ssettag s2;
	_ =	strace s9  }
0x27: {  	s1 =	sld [smem:$0x3FB0]  }
0x28: {  	s2 =	sld [smem:$0x3FB1]  }
0x29: {  	s4 =	sld [smem:$0x3FB3]  }
0x2a: {  	p0 =	seq.s32 s5, $0x0;
	s5 =	sld [smem:$0x3FB4]  }
0x2b: {  	s6 =	sld [smem:$0x3FB5]  }
0x2c: {  	s7 =	sld [smem:$0x3FB6]  }
0x2d: {  	s3 =	simm.s32 $0x108;
	s8 =	sld [smem:$0x3FB7]  }
0x2e: {  	s3 =	simm.s32 @!p0 $0x1082;
	s9 =	sld [smem:$0x3FB8]  }
0x2f: {  	lr =	sadd.s32 s0, s3;
	s0 =	sld [smem:$0x3FAF]  }
0x30: {  	s3 =	sld [smem:$0x3FB2]  }
0x31: {  	[smem:$0x3FBB] =	sst s10  }
0x32: {  	s10 =	sld [smem:$0x3FB9];
	_ =	sdelay $0x3  }
0x33: {  	p0 =	seq.s32 s10, $0x1;
	s10 =	sld [smem:$0x3FBB];
	_ =	sdelay $0x3  }
0x34: {  	[smem:$0x3FBB] =	sst s10  }
0x35: {  	s10 =	sld [smem:$0x3FBA];
	_ =	sdelay $0x3  }
0x36: {  	p1 =	seq.s32 s10, $0x1;
	s10 =	sld [smem:$0x3FBB];
	_ =	sdelay $0x3  }
0x37: {  	[smem:$0x3FBB] =	sst s10  }
0x38: {  	s10 =	sld [smem:$0x3FBC]  }
0x39: {  	_ = 	snop;
	(pc) =	sbr.ind lr, $3  }
0x3a: {  	_ = 	snop  }
0x3b: {  	_ = 	snop  }
0x3c: {  	p2 =	seq.s32 s10, $0x1;
	s10 =	sld [smem:$0x3FBB]  }
0x3d: {  	_ =	shalt  }
0x3e: {  	_ =	shalt  }
0x3f: {  	_ =	shalt  }
0x40: {  	_ =	shalt  }
0x41: {  	_ =	shalt  }
0x42: {  	_ =	shalt  }
0x43: {  	_ =	shalt  }
0x44: {  	_ =	shalt  }
0x45: {  	_ =	shalt  }
0x46: {  	_ =	shalt  }
0x47: {  	_ =	shalt  }
0x48: {  	_ =	shalt  }
0x49: {  	_ =	shalt  }
0x4a: {  	_ =	shalt  }
0x4b: {  	_ =	shalt  }
0x4c: {  	_ =	shalt  }
0x4d: {  	_ =	shalt  }
0x4e: {  	_ =	shalt  }
0x4f: {  	_ =	shalt  }
0x50: {  	_ =	shalt  }
0x51: {  	_ =	shalt  }
0x52: {  	_ =	shalt  }
0x53: {  	_ =	shalt  }
0x54: {  	_ =	shalt  }
0x55: {  	_ =	shalt  }
0x56: {  	_ =	shalt  }
0x57: {  	_ =	shalt  }
0x58: {  	_ =	shalt  }
0x59: {  	_ =	shalt  }
0x5a: {  	_ =	shalt  }
0x5b: {  	_ =	shalt  }
0x5c: {  	_ =	shalt  }
0x5d: {  	_ =	shalt  }
0x5e: {  	_ =	shalt  }
0x5f: {  	_ =	shalt  }
0x60: {  	_ =	shalt  }
0x61: {  	_ =	shalt  }
0x62: {  	_ =	shalt  }
0x63: {  	_ =	shalt  }
0x64: {  	_ =	shalt  }
0x65: {  	_ =	shalt  }
0x66: {  	_ =	shalt  }
0x67: {  	_ =	shalt  }
0x68: {  	_ =	shalt  }
0x69: {  	_ =	shalt  }
0x6a: {  	_ =	shalt  }
0x6b: {  	_ =	shalt  }
0x6c: {  	_ =	shalt  }
0x6d: {  	_ =	shalt  }
0x6e: {  	_ =	shalt  }
0x6f: {  	_ =	shalt  }
0x70: {  	_ =	shalt  }
0x71: {  	_ =	shalt  }
0x72: {  	_ =	shalt  }
0x73: {  	_ =	shalt  }
0x74: {  	_ =	shalt  }
0x75: {  	_ =	shalt  }
0x76: {  	_ =	shalt  }
0x77: {  	_ =	shalt  }
0x78: {  	_ =	shalt  }
0x79: {  	_ =	shalt  }
0x7a: {  	_ =	shalt  }
0x7b: {  	_ =	shalt  }
0x7c: {  	_ =	shalt  }
0x7d: {  	_ =	shalt  }
0x7e: {  	_ =	shalt  }
0x7f: {  	_ =	shalt  }
0x80: {  	_ =	shalt  }
0x81: {  	_ =	shalt  }
0x82: {  	_ =	shalt  }
0x83: {  	_ =	shalt  }
0x84: {  	_ =	shalt  }
0x85: {  	_ =	shalt  }
0x86: {  	_ =	shalt  }
0x87: {  	_ =	shalt  }
.Lfunc_end0:
.L_simem_size_0:
called_computation_lowered:
.L_overlay_start_0:
0x88: {  	s2 =	sld [smem:$0x3FD9]  }
0x89: {  	s3 =	sld [smem:$0x3FFE];
	_ =	sdelay $0x1  }
0x8a: {  	s1 =	srdreg.scid  }
0x8b: {  	s0 =	sand.u32 $0x1, s1  }
0x8c: {  	s18 =	sshll.u32 s0, $0xA;
	s2 =	sadd.s32 s3, s2  }
0x8d: {  	s2 =	sadd.s32 s2, s18  }
0x8e: {  	[smem:$0x3FC7] =	sst s2  }
0x8f: {  	_ = 	snop  }
0x90: {  	s2 =	sld [smem:$0x3FC9]  }
0x91: {  	s19 =	sld [smem:$0x3FD0];
	(tm) =	ssettm $0x1  }
0x92: {  	s4 =	sld [smem:$0x3FFB];
	_ =	sdelay $0x3  }
0x93: {  	_ =	strace s4  }
0x94: {  	s4 =	sld [smem:$0x3FFC];
	_ =	sdelay $0x3  }
0x95: {  	_ =	strace s4  }
0x96: {  	s4 =	sld [smem:$0x3FFD];
	_ =	sdelay $0x3  }
0x97: {  	_ =	strace s4  }
0x98: {  	_ =	strace $0x8FFFFFFF  }
0x99: {  	s20 =	sld [smem:$0x3FDB];
	_ =	sdelay $0x1  }
0x9a: {  	s5 =	simm.s32 $_scs_section_size  }
0x9b: {  	s6 =	simm.s32 $_size__tile_overlayer_lowered;
	s7 =	simm.s32 $_tile_overlayer_lowered  }
0x9c: {  	s23 =	simm.s32 $0x1BFF;
	s22 =	sshll.u32 s7, $0x1;
	s4 =	sadd.s32 s5, s20  }
0x9d: {  	s8 =	simm.s32 $0x0;
	s21 =	sshll.u32 s6, $0x1;
	s6 =	sadd.s32 s22, s4  }
0x9e: {  	[timem:s8], [sflag:s23] =	dma.local [hbm:s6], s21  }
0x9f: {  	_ =	swait.ge [sflag:s23], s21  }
0xa0: {  	s5 =	ssub.s32 $0x0, s21;
	[sflag:s23] =	ssyncset.done $0x0  }
0xa1: {  	[sflag:s23] =	ssyncadd.s32 s5;
	_ =	sdelay $0x1  }
0xa2: {  	s24 =	simm.s32 $0x1B8B  }
0xa3: {  	_ =	swait.ge [sflag:s24], $0x1  }
0xa4: {  	[sflag:s24] =	ssyncset.done $0x0  }
0xa5: {  	s25 =	simm.s32 $0x1B8E;
	[sflag:s24] =	ssyncadd.s32 $0xFFFFFFFF  }
0xa6: {  	s26 =	simm.s32 $execute0_lowered;
	[smem:$0x3FD2] =	sst s25  }
0xa7: {  	s5 =	sshll.u32 s26, $0x1;
	_ =	strace $0x80000046;
	[dreg:$0x1] =	wrdreg $0xFFFFFFFF  }
0xa8: {  	s28 =	simm.s32 $_size_execute0_lowered;
	s4 =	sadd.s32 s4, s5;
	[dreg:$0x0] =	wrdreg $0x0  }
0xa9: {  	s5 =	sshll.u32 s28, $0x1;
	[dreg:$0x2] =	wrdreg s4  }
0xaa: {  	[dreg:$0x3] =	wrdreg s5  }
0xab: {  	[dreg:$0x4] =	wrdreg $0xC0  }
0xac: {  	_ =	task [dreg:s8], $0x5FFFF  }
0xad: {  	[dreg:$0x1] =	wrdreg $0xFFFFFFFF  }
0xae: {  	[dreg:$0x0] =	wrdreg $0x60  }
0xaf: {  	[dreg:$0x2] =	wrdreg s2  }
0xb0: {  	[dreg:$0x3] =	wrdreg s19  }
0xb1: {  	[dreg:$0x4] =	wrdreg $0x9  }
0xb2: {  	_ =	task.clear_ibuf [dreg:s8], $0x5FFFF;
	_ =	strace $0x90000046  }
0xb3: {  	s29 =	simm.s32 $0x9;
	_ =	strace $0x80000048  }
0xb4: {  	_ =	swait.ge [sflag:s29], $0x1  }
0xb5: {  	[sflag:s29] =	ssyncadd.s32 $0xFFFFFFFF  }
0xb6: {  	_ =	strace $0x90000048  }
0xb7: {  	_ =	sfence  }
0xb8: {  	s30 =	sld [smem:$0x0];
	_ =	sdelay $0x2  }
0xb9: {  	s31 =	sshll.u32 s1, $0xD;
	s1 =	sshrl.u32 s1, $0x2  }
0xba: {  	s3 =	sand.u32 $0x4000, s31;
	s1 =	sadd.s32 s1, s30  }
0xbb: {  	s0 =	sor.u32 s3, s0;
	s1 =	sshll.u32 s1, $0x11  }
0xbc: {  	s0 =	sor.u32 s1, s0  }
0xbd: {  	s0 =	sadd.s32 $0x8F2B, s0  }
0xbe: {  	[sflag:s0] =	ssyncadd.remote.s32 $0x1  }
0xbf: {  	_ =	sfence.sel $0xFFFF  }
0xc0: {  	[dreg:$0x0] =	wrdreg $0xFFFFFFFF;
	(pc) =	sbr.abs _section_cstart, $3  }
0xc1: {  	[dreg:$0x1] =	wrdreg $0xFFFFFFFF  }
0xc2: {  	_ =	task.clear_ibuf [dreg:s8], $0x2FFFF;
	_ =	strace $0x9FFFFFFF  }
0xc3: {  	(tm) =	ssettm $0x7FFFFFFF  }
tec
execute0_lowered:
.L_overlay_start_1:
0x0: {  	(tag) =	ssettag $0x1  }
0x1: {  	s6 =	rddreg [dreg:$0x0]  }
0x2: {  	s10 =	rddreg [dreg:$0x1];
	s1 =	srdreg.scid  }
0x3: {  	s0 =	rddreg [dreg:$0x2];
	s2 =	simm.s32 $0x0;
	s13 =	simm.s32 $0x8000  }
0x4: {  	s14 =	simm.s32 $0xC000;
	s15 =	simm.s32 $0x1;
	s16 =	simm.s32 $0x2  }
0x5: {  	s17 =	simm.s32 $0x3;
	s18 =	simm.s32 $0x4;
	s19 =	simm.s32 $0x5  }
0x6: {  	s20 =	simm.s32 $0x6;
	s21 =	simm.s32 $0x7;
	s22 =	simm.s32 $0x8  }
0x7: {  	s23 =	simm.s32 $0x0;
	s3 =	sand.u32 $0x1, s1;
	s1 =	stileid.u32  }
0x8: {  	s4 =	ssub.s32 $0x2, s3;
	s7 =	sshll.u32 s1, $0xE;
	s3 =	sshll.u32 s3, $0xD  }
0x9: {  	[smem:$0x7FF] =	sst s2;
	s5 =	sshrl.u32 s4, $0x1;
	s7 =	sor.u32 s3, s7  }
0xa: {  	_ =	strace $0x80000047;
	s11 =	ssub.s32 s4, s5;
	s3 =	sadd.s32 s6, s7  }
0xb: {  	s8 =	sor.u32 $0x800, s7;
	s9 =	sor.u32 $0x1000, s7;
	s12 =	sor.u32 $0x1800, s7  }
0xc: {  	v0 =	vlaneseq.u32;
	s7 =	sadd.s32 s10, s7;
	s4 =	sadd.s32 s6, s8;
	s5 =	sadd.s32 s6, s9  }
0xd: {  	v0 =	vmul.u32 $0x80, v0;
	s6 =	sadd.s32 s6, s12;
	s8 =	sadd.s32 s10, s8;
	s9 =	sadd.s32 s10, s9  }
0xe: {  	s10 =	sadd.s32 s10, s12;
	s11 =	smax.u32 s11, $0x1;
	s12 =	simm.s32 $0x4000  }
.LBB2_1:
0xf: {  	[tilespmem:s2], [sflag:$0x1] =	stream.linear.gather [hbm4b:s3+s2], $0x4000, $0x38;
	[tilespmem:$0x10000] =	vst v63  }
0x10: {  	_ = 	snop  }
0x11: {  	v1 =	vmov s2;
	[tilespmem:s12], [sflag:$0x2] =	stream.linear.gather [hbm4b:s4+s2], $0x4000, $0x38;
	[tilespmem:$0x10000] =	vst v63  }
0x12: {  	v1 =	vshll.u32 v1, $0x7  }
0x13: {  	v3 =	vor.u32 v0, v1;
	[tilespmem:s13], [sflag:$0x3] =	stream.linear.gather [hbm4b:s5+s2], $0x4000, $0x38;
	[tilespmem:$0x10000] =	vst v63  }
0x14: {  	v1 =	vor.u32 $0x7D, v3  }
0x15: {  	[tilespmem:s14], [sflag:$0x4] =	stream.linear.gather [hbm4b:s6+s2], $0x4000, $0x38;
	[tilespmem:$0x10000] =	vst v63  }
0x16: {  	_ =	swait.ge [sflag:s15], $0x4000  }
0x17: {  	[sflag:s15] =	ssyncset.done $0x0  }
0x18: {  	[sflag:s15] =	ssyncadd.s32 $0xFFFFC000  }
0x19: {  	v2 =	vld.idx.msk [tilespmem:v1+s2+$0x0], $0xffff;
	_ =	sdelay $0x4  }
0x1a: {  	(erf) = vrcp.f32 v2;
	_ =	sdelay $0x4  }
0x1b: {  	v2 =	vor.u32 $0x7E, v3;
	_ =	sdelay $0x3  }
0x1c: {  	v5 =	vpop (erf)  }
0x1d: {  	v4 =	vld.idx.msk [tilespmem:v2+s2+$0x0], $0xffff;
	v5 =	vadd.f32 $-1.000000000e+00, v5;
	_ =	sdelay $0x1  }
0x1e: {  	v6 =	vor.u32 $0x7C, v3;
	(erf) = vrcp.f32 v5;
	_ =	sdelay $0x2  }
0x1f: {  	(erf) = vrcp.f32 v4;
	_ =	sdelay $0x1  }
0x20: {  	v3 =	vor.u32 $0x7F, v3;
	v4 =	vld.idx.msk [tilespmem:v6+s2+$0x0], $0xffff;
	_ =	sdelay $0x3  }
0x21: {  	v5 =	vpop (erf)  }
0x22: {  	v5 =	vmul.f32 v5, v4;
	v4 =	vld.idx.msk [tilespmem:v3+s2+$0x0], $0xffff;
	_ =	sdelay $0x1  }
0x23: {  	s24 =	simm.s32 $0x10;
	v6 =	vpop (erf)  }
0x24: {  	v7 =	vmov s24;
	v6 =	vmul.f32 v5, v6  }
0x25: {  	s24 =	simm.s32 $0x20;
	v7 =	vshll.u32 v7, $0x7  }
.LBB2_2:
0x26: {  	p0 =	sne.s32 s24, $0x70;
	v7 =	vor.u32 v0, v7;
	v6 =	vsub.f32 v6, v5;
	v8 =	vsub.f32 $1.000000000e+00, v4  }
0x27: {  	v9 =	vor.u32 $0x7D, v7  }
0x28: {  	v10 =	vor.u32 $0x7E, v7;
	v8 =	vmul.f32 v6, v8;
	v4 =	vmul.f32 v6, v4  }
0x29: {  	v6 =	vor.u32 $0x7F, v7;
	[tilespmem:v1+s2+$0x0] =	vst.idx.msk $0xffff, v5;
	v1 =	vmov v9  }
0x2a: {  	v5 =	vor.u32 $0x7C, v7;
	[tilespmem:v2+s2+$0x0] =	vst.idx.msk $0xffff, v8;
	v2 =	vmov v10  }
0x2b: {  	[tilespmem:v3+s2+$0x0] =	vst.idx.msk $0xffff, v4;
	v3 =	vmov v6  }
0x2c: {  	v7 =	vld.idx.msk [tilespmem:v9+s2+$0x0], $0xffff  }
0x2d: {  	v8 =	vld.idx.msk [tilespmem:v10+s2+$0x0], $0xffff  }
0x2e: {  	v4 =	vld.idx.msk [tilespmem:v6+s2+$0x0], $0xffff  }
0x2f: {  	v5 =	vld.idx.msk [tilespmem:v5+s2+$0x0], $0xffff;
	_ =	sdelay $0x2  }
0x30: {  	(erf) = vrcp.f32 v7;
	_ =	sdelay $0x8  }
0x31: {  	v6 =	vpop (erf)  }
0x32: {  	v6 =	vadd.f32 $-1.000000000e+00, v6;
	_ =	sdelay $0x1  }
0x33: {  	(erf) = vrcp.f32 v6;
	_ =	sdelay $0x1  }
0x34: {  	(erf) = vrcp.f32 v8;
	_ =	sdelay $0x6  }
.Ltmp0:
0x35: {  	v6 =	vpop (erf);
	(pc) =	sbr.rel @p0 .LBB2_2-.Ltmp0, $4  }
0x36: {  	v5 =	vmul.f32 v6, v5  }
0x37: {  	v6 =	vpop (erf)  }
0x38: {  	v7 =	vmov s24;
	v6 =	vmul.f32 v5, v6  }
0x39: {  	s24 =	sadd.s32 $0x10, s24;
	v7 =	vshll.u32 v7, $0x7  }
0x3a: {  	_ = 	snop  }
0x3b: {  	v7 =	vor.u32 v0, v7;
	v6 =	vsub.f32 v6, v5;
	v8 =	vsub.f32 $1.000000000e+00, v4  }
0x3c: {  	v9 =	vor.u32 $0x7D, v7  }
0x3d: {  	v8 =	vmul.f32 v6, v8  }
0x3e: {  	[tilespmem:v1+s2+$0x0] =	vst.idx.msk $0xffff, v5;
	v4 =	vmul.f32 v6, v4  }
0x3f: {  	[tilespmem:v2+s2+$0x0] =	vst.idx.msk $0xffff, v8  }
0x40: {  	[tilespmem:v3+s2+$0x0] =	vst.idx.msk $0xffff, v4  }
0x41: {  	v1 =	vld.idx.msk [tilespmem:v9+s2+$0x0], $0xffff;
	_ =	sdelay $0x4  }
0x42: {  	(erf) = vrcp.f32 v1;
	_ =	sdelay $0x3  }
0x43: {  	v1 =	vor.u32 $0x7E, v7;
	_ =	sdelay $0x4  }
0x44: {  	v2 =	vld.idx.msk [tilespmem:v1+s2+$0x0], $0xffff;
	v3 =	vpop (erf)  }
0x45: {  	v3 =	vadd.f32 $-1.000000000e+00, v3;
	_ =	sdelay $0x1  }
0x46: {  	v4 =	vor.u32 $0x7C, v7;
	(erf) = vrcp.f32 v3;
	_ =	sdelay $0x1  }
0x47: {  	(erf) = vrcp.f32 v2;
	_ =	sdelay $0x1  }
0x48: {  	v2 =	vor.u32 $0x7F, v7  }
0x49: {  	v3 =	vld.idx.msk [tilespmem:v4+s2+$0x0], $0xffff;
	_ =	sdelay $0x3  }
0x4a: {  	v4 =	vld.idx.msk [tilespmem:v2+s2+$0x0], $0xffff;
	v5 =	vpop (erf)  }
0x4b: {  	v3 =	vmul.f32 v5, v3  }
0x4c: {  	v5 =	vpop (erf)  }
0x4d: {  	v5 =	vmul.f32 v3, v5;
	_ =	sdelay $0x1  }
0x4e: {  	v6 =	vsub.f32 $1.000000000e+00, v4;
	v5 =	vsub.f32 v5, v3  }
0x4f: {  	s24 =	simm.s32 $0x80  }
0x50: {  	v7 =	vmov s24;
	v6 =	vmul.f32 v5, v6  }
0x51: {  	[tilespmem:v9+s2+$0x0] =	vst.idx.msk $0xffff, v3;
	v3 =	vshll.u32 v7, $0x7;
	v4 =	vmul.f32 v5, v4  }
0x52: {  	v3 =	vor.u32 v0, v3;
	[tilespmem:v1+s2+$0x0] =	vst.idx.msk $0xffff, v6  }
0x53: {  	v1 =	vor.u32 $0x7D, v3;
	[tilespmem:v2+s2+$0x0] =	vst.idx.msk $0xffff, v4  }
0x54: {  	[hbm4b:s7+s2] =	stream.linear.scatter [tilespmem:s2], [sflag:$0x5], $0x4000, $0x38;
	[tilespmem:$0x10000] =	vst v63  }
0x55: {  	_ =	swait.ge [sflag:s16], $0x4000  }
0x56: {  	[sflag:s16] =	ssyncset.done $0x0  }
0x57: {  	[sflag:s16] =	ssyncadd.s32 $0xFFFFC000  }
0x58: {  	v2 =	vld.idx.msk [tilespmem:v1+s2+$0x0], $0xffff;
	_ =	sdelay $0x4  }
0x59: {  	(erf) = vrcp.f32 v2;
	_ =	sdelay $0x4  }
0x5a: {  	v2 =	vor.u32 $0x7E, v3;
	_ =	sdelay $0x3  }
0x5b: {  	v5 =	vpop (erf)  }
0x5c: {  	v4 =	vld.idx.msk [tilespmem:v2+s2+$0x0], $0xffff;
	v5 =	vadd.f32 $-1.000000000e+00, v5;
	_ =	sdelay $0x1  }
0x5d: {  	v6 =	vor.u32 $0x7C, v3;
	(erf) = vrcp.f32 v5;
	_ =	sdelay $0x2  }
0x5e: {  	(erf) = vrcp.f32 v4;
	_ =	sdelay $0x1  }
0x5f: {  	v3 =	vor.u32 $0x7F, v3;
	v4 =	vld.idx.msk [tilespmem:v6+s2+$0x0], $0xffff;
	_ =	sdelay $0x3  }
0x60: {  	v5 =	vpop (erf)  }
0x61: {  	v5 =	vmul.f32 v5, v4;
	v4 =	vld.idx.msk [tilespmem:v3+s2+$0x0], $0xffff;
	_ =	sdelay $0x1  }
0x62: {  	s31 =	simm.s32 $0x90;
	v6 =	vpop (erf)  }
0x63: {  	v7 =	vmov s31;
	v6 =	vmul.f32 v5, v6  }
0x64: {  	s24 =	simm.s32 $0xA0;
	v7 =	vshll.u32 v7, $0x7  }
.LBB2_4:
0x65: {  	p0 =	sne.s32 s24, $0xF0;
	v7 =	vor.u32 v0, v7;
	v6 =	vsub.f32 v6, v5;
	v8 =	vsub.f32 $1.000000000e+00, v4  }
0x66: {  	v9 =	vor.u32 $0x7D, v7  }
0x67: {  	v10 =	vor.u32 $0x7E, v7;
	v8 =	vmul.f32 v6, v8;
	v4 =	vmul.f32 v6, v4  }
0x68: {  	v6 =	vor.u32 $0x7F, v7;
	[tilespmem:v1+s2+$0x0] =	vst.idx.msk $0xffff, v5;
	v1 =	vmov v9  }
0x69: {  	v5 =	vor.u32 $0x7C, v7;
	[tilespmem:v2+s2+$0x0] =	vst.idx.msk $0xffff, v8;
	v2 =	vmov v10  }
0x6a: {  	[tilespmem:v3+s2+$0x0] =	vst.idx.msk $0xffff, v4;
	v3 =	vmov v6  }
0x6b: {  	v7 =	vld.idx.msk [tilespmem:v9+s2+$0x0], $0xffff  }
0x6c: {  	v8 =	vld.idx.msk [tilespmem:v10+s2+$0x0], $0xffff  }
0x6d: {  	v4 =	vld.idx.msk [tilespmem:v6+s2+$0x0], $0xffff  }
0x6e: {  	v5 =	vld.idx.msk [tilespmem:v5+s2+$0x0], $0xffff;
	_ =	sdelay $0x2  }
0x6f: {  	(erf) = vrcp.f32 v7;
	_ =	sdelay $0x8  }
0x70: {  	v6 =	vpop (erf)  }
0x71: {  	v6 =	vadd.f32 $-1.000000000e+00, v6;
	_ =	sdelay $0x1  }
0x72: {  	(erf) = vrcp.f32 v6;
	_ =	sdelay $0x1  }
0x73: {  	(erf) = vrcp.f32 v8;
	_ =	sdelay $0x6  }
.Ltmp1:
0x74: {  	v6 =	vpop (erf);
	(pc) =	sbr.rel @p0 .LBB2_4-.Ltmp1, $4  }
0x75: {  	v5 =	vmul.f32 v6, v5  }
0x76: {  	v6 =	vpop (erf)  }
0x77: {  	v7 =	vmov s24;
	v6 =	vmul.f32 v5, v6  }
0x78: {  	s24 =	sadd.s32 $0x10, s24;
	v7 =	vshll.u32 v7, $0x7  }
0x79: {  	_ = 	snop  }
0x7a: {  	v7 =	vor.u32 v0, v7;
	v6 =	vsub.f32 v6, v5;
	v8 =	vsub.f32 $1.000000000e+00, v4  }
0x7b: {  	v9 =	vor.u32 $0x7D, v7  }
0x7c: {  	v8 =	vmul.f32 v6, v8  }
0x7d: {  	[tilespmem:v1+s2+$0x0] =	vst.idx.msk $0xffff, v5;
	v4 =	vmul.f32 v6, v4  }
0x7e: {  	[tilespmem:v2+s2+$0x0] =	vst.idx.msk $0xffff, v8  }
0x7f: {  	[tilespmem:v3+s2+$0x0] =	vst.idx.msk $0xffff, v4  }
0x80: {  	v1 =	vld.idx.msk [tilespmem:v9+s2+$0x0], $0xffff;
	_ =	sdelay $0x4  }
0x81: {  	(erf) = vrcp.f32 v1;
	_ =	sdelay $0x3  }
0x82: {  	v1 =	vor.u32 $0x7E, v7;
	_ =	sdelay $0x4  }
0x83: {  	v2 =	vld.idx.msk [tilespmem:v1+s2+$0x0], $0xffff;
	v3 =	vpop (erf)  }
0x84: {  	v3 =	vadd.f32 $-1.000000000e+00, v3;
	_ =	sdelay $0x1  }
0x85: {  	v4 =	vor.u32 $0x7C, v7;
	(erf) = vrcp.f32 v3;
	_ =	sdelay $0x1  }
0x86: {  	(erf) = vrcp.f32 v2;
	_ =	sdelay $0x1  }
0x87: {  	v2 =	vor.u32 $0x7F, v7  }
0x88: {  	v3 =	vld.idx.msk [tilespmem:v4+s2+$0x0], $0xffff;
	_ =	sdelay $0x3  }
0x89: {  	v4 =	vld.idx.msk [tilespmem:v2+s2+$0x0], $0xffff;
	v5 =	vpop (erf)  }
0x8a: {  	v3 =	vmul.f32 v5, v3  }
0x8b: {  	v5 =	vpop (erf)  }
0x8c: {  	v5 =	vmul.f32 v3, v5;
	_ =	sdelay $0x1  }
0x8d: {  	v6 =	vsub.f32 $1.000000000e+00, v4;
	v5 =	vsub.f32 v5, v3  }
0x8e: {  	s24 =	simm.s32 $0x100  }
0x8f: {  	v7 =	vmov s24;
	v6 =	vmul.f32 v5, v6  }
0x90: {  	[tilespmem:v9+s2+$0x0] =	vst.idx.msk $0xffff, v3;
	v3 =	vshll.u32 v7, $0x7;
	v4 =	vmul.f32 v5, v4  }
0x91: {  	v3 =	vor.u32 v0, v3;
	[tilespmem:v1+s2+$0x0] =	vst.idx.msk $0xffff, v6  }
0x92: {  	v1 =	vor.u32 $0x7D, v3;
	[tilespmem:v2+s2+$0x0] =	vst.idx.msk $0xffff, v4  }
0x93: {  	[hbm4b:s8+s2] =	stream.linear.scatter [tilespmem:s12], [sflag:$0x6], $0x4000, $0x38;
	[tilespmem:$0x10000] =	vst v63  }
0x94: {  	_ =	swait.ge [sflag:s17], $0x4000  }
0x95: {  	[sflag:s17] =	ssyncset.done $0x0  }
0x96: {  	[sflag:s17] =	ssyncadd.s32 $0xFFFFC000  }
0x97: {  	v2 =	vld.idx.msk [tilespmem:v1+s2+$0x0], $0xffff;
	_ =	sdelay $0x4  }
0x98: {  	(erf) = vrcp.f32 v2;
	_ =	sdelay $0x4  }
0x99: {  	v2 =	vor.u32 $0x7E, v3;
	_ =	sdelay $0x3  }
0x9a: {  	v5 =	vpop (erf)  }
0x9b: {  	v4 =	vld.idx.msk [tilespmem:v2+s2+$0x0], $0xffff;
	v5 =	vadd.f32 $-1.000000000e+00, v5;
	_ =	sdelay $0x1  }
0x9c: {  	v6 =	vor.u32 $0x7C, v3;
	(erf) = vrcp.f32 v5;
	_ =	sdelay $0x2  }
0x9d: {  	(erf) = vrcp.f32 v4;
	_ =	sdelay $0x1  }
0x9e: {  	v3 =	vor.u32 $0x7F, v3;
	v4 =	vld.idx.msk [tilespmem:v6+s2+$0x0], $0xffff;
	_ =	sdelay $0x3  }
0x9f: {  	v5 =	vpop (erf)  }
0xa0: {  	v5 =	vmul.f32 v5, v4;
	v4 =	vld.idx.msk [tilespmem:v3+s2+$0x0], $0xffff;
	_ =	sdelay $0x1  }
0xa1: {  	s31 =	simm.s32 $0x110;
	v6 =	vpop (erf)  }
0xa2: {  	v7 =	vmov s31;
	v6 =	vmul.f32 v5, v6  }
0xa3: {  	s24 =	simm.s32 $0x120;
	v7 =	vshll.u32 v7, $0x7  }
.LBB2_6:
0xa4: {  	p0 =	sne.s32 s24, $0x170;
	v7 =	vor.u32 v0, v7;
	v6 =	vsub.f32 v6, v5;
	v8 =	vsub.f32 $1.000000000e+00, v4  }
0xa5: {  	v9 =	vor.u32 $0x7D, v7  }
0xa6: {  	v10 =	vor.u32 $0x7E, v7;
	v8 =	vmul.f32 v6, v8;
	v4 =	vmul.f32 v6, v4  }
0xa7: {  	v6 =	vor.u32 $0x7F, v7;
	[tilespmem:v1+s2+$0x0] =	vst.idx.msk $0xffff, v5;
	v1 =	vmov v9  }
0xa8: {  	v5 =	vor.u32 $0x7C, v7;
	[tilespmem:v2+s2+$0x0] =	vst.idx.msk $0xffff, v8;
	v2 =	vmov v10  }
0xa9: {  	[tilespmem:v3+s2+$0x0] =	vst.idx.msk $0xffff, v4;
	v3 =	vmov v6  }
0xaa: {  	v7 =	vld.idx.msk [tilespmem:v9+s2+$0x0], $0xffff  }
0xab: {  	v8 =	vld.idx.msk [tilespmem:v10+s2+$0x0], $0xffff  }
0xac: {  	v4 =	vld.idx.msk [tilespmem:v6+s2+$0x0], $0xffff  }
0xad: {  	v5 =	vld.idx.msk [tilespmem:v5+s2+$0x0], $0xffff;
	_ =	sdelay $0x2  }
0xae: {  	(erf) = vrcp.f32 v7;
	_ =	sdelay $0x8  }
0xaf: {  	v6 =	vpop (erf)  }
0xb0: {  	v6 =	vadd.f32 $-1.000000000e+00, v6;
	_ =	sdelay $0x1  }
0xb1: {  	(erf) = vrcp.f32 v6;
	_ =	sdelay $0x1  }
0xb2: {  	(erf) = vrcp.f32 v8;
	_ =	sdelay $0x6  }
.Ltmp2:
0xb3: {  	v6 =	vpop (erf);
	(pc) =	sbr.rel @p0 .LBB2_6-.Ltmp2, $4  }
0xb4: {  	v5 =	vmul.f32 v6, v5  }
0xb5: {  	v6 =	vpop (erf)  }
0xb6: {  	v7 =	vmov s24;
	v6 =	vmul.f32 v5, v6  }
0xb7: {  	s24 =	sadd.s32 $0x10, s24;
	v7 =	vshll.u32 v7, $0x7  }
0xb8: {  	_ = 	snop  }
0xb9: {  	v7 =	vor.u32 v0, v7;
	v6 =	vsub.f32 v6, v5;
	v8 =	vsub.f32 $1.000000000e+00, v4  }
0xba: {  	v9 =	vor.u32 $0x7D, v7  }
0xbb: {  	v8 =	vmul.f32 v6, v8  }
0xbc: {  	[tilespmem:v1+s2+$0x0] =	vst.idx.msk $0xffff, v5;
	v4 =	vmul.f32 v6, v4  }
0xbd: {  	[tilespmem:v2+s2+$0x0] =	vst.idx.msk $0xffff, v8  }
0xbe: {  	[tilespmem:v3+s2+$0x0] =	vst.idx.msk $0xffff, v4  }
0xbf: {  	v1 =	vld.idx.msk [tilespmem:v9+s2+$0x0], $0xffff;
	_ =	sdelay $0x4  }
0xc0: {  	(erf) = vrcp.f32 v1;
	_ =	sdelay $0x3  }
0xc1: {  	v1 =	vor.u32 $0x7E, v7;
	_ =	sdelay $0x4  }
0xc2: {  	v2 =	vld.idx.msk [tilespmem:v1+s2+$0x0], $0xffff;
	v3 =	vpop (erf)  }
0xc3: {  	v3 =	vadd.f32 $-1.000000000e+00, v3;
	_ =	sdelay $0x1  }
0xc4: {  	v4 =	vor.u32 $0x7C, v7;
	(erf) = vrcp.f32 v3;
	_ =	sdelay $0x1  }
0xc5: {  	(erf) = vrcp.f32 v2;
	_ =	sdelay $0x1  }
0xc6: {  	v2 =	vor.u32 $0x7F, v7  }
0xc7: {  	v3 =	vld.idx.msk [tilespmem:v4+s2+$0x0], $0xffff;
	_ =	sdelay $0x3  }
0xc8: {  	v4 =	vld.idx.msk [tilespmem:v2+s2+$0x0], $0xffff;
	v5 =	vpop (erf)  }
0xc9: {  	v3 =	vmul.f32 v5, v3  }
0xca: {  	v5 =	vpop (erf)  }
0xcb: {  	v5 =	vmul.f32 v3, v5;
	_ =	sdelay $0x1  }
0xcc: {  	v6 =	vsub.f32 $1.000000000e+00, v4;
	v5 =	vsub.f32 v5, v3  }
0xcd: {  	s24 =	simm.s32 $0x180  }
0xce: {  	v7 =	vmov s24;
	v6 =	vmul.f32 v5, v6  }
0xcf: {  	[tilespmem:v9+s2+$0x0] =	vst.idx.msk $0xffff, v3;
	v3 =	vshll.u32 v7, $0x7;
	v4 =	vmul.f32 v5, v4  }
0xd0: {  	v3 =	vor.u32 v0, v3;
	[tilespmem:v1+s2+$0x0] =	vst.idx.msk $0xffff, v6  }
0xd1: {  	v1 =	vor.u32 $0x7D, v3;
	[tilespmem:v2+s2+$0x0] =	vst.idx.msk $0xffff, v4  }
0xd2: {  	[hbm4b:s9+s2] =	stream.linear.scatter [tilespmem:s13], [sflag:$0x7], $0x4000, $0x38;
	[tilespmem:$0x10000] =	vst v63  }
0xd3: {  	_ =	swait.ge [sflag:s18], $0x4000  }
0xd4: {  	[sflag:s18] =	ssyncset.done $0x0  }
0xd5: {  	[sflag:s18] =	ssyncadd.s32 $0xFFFFC000  }
0xd6: {  	v2 =	vld.idx.msk [tilespmem:v1+s2+$0x0], $0xffff;
	_ =	sdelay $0x4  }
0xd7: {  	(erf) = vrcp.f32 v2;
	_ =	sdelay $0x4  }
0xd8: {  	v2 =	vor.u32 $0x7E, v3;
	_ =	sdelay $0x3  }
0xd9: {  	v5 =	vpop (erf)  }
0xda: {  	v4 =	vld.idx.msk [tilespmem:v2+s2+$0x0], $0xffff;
	v5 =	vadd.f32 $-1.000000000e+00, v5;
	_ =	sdelay $0x1  }
0xdb: {  	v6 =	vor.u32 $0x7C, v3;
	(erf) = vrcp.f32 v5;
	_ =	sdelay $0x2  }
0xdc: {  	(erf) = vrcp.f32 v4;
	_ =	sdelay $0x1  }
0xdd: {  	v3 =	vor.u32 $0x7F, v3;
	v4 =	vld.idx.msk [tilespmem:v6+s2+$0x0], $0xffff;
	_ =	sdelay $0x3  }
0xde: {  	v5 =	vpop (erf)  }
0xdf: {  	v5 =	vmul.f32 v5, v4;
	v4 =	vld.idx.msk [tilespmem:v3+s2+$0x0], $0xffff;
	_ =	sdelay $0x1  }
0xe0: {  	s31 =	simm.s32 $0x190;
	v6 =	vpop (erf)  }
0xe1: {  	v7 =	vmov s31;
	v6 =	vmul.f32 v5, v6  }
0xe2: {  	s24 =	simm.s32 $0x1A0;
	v7 =	vshll.u32 v7, $0x7  }
.LBB2_8:
0xe3: {  	p0 =	sne.s32 s24, $0x1F0;
	v7 =	vor.u32 v0, v7;
	v6 =	vsub.f32 v6, v5;
	v8 =	vsub.f32 $1.000000000e+00, v4  }
0xe4: {  	v9 =	vor.u32 $0x7D, v7  }
0xe5: {  	v10 =	vor.u32 $0x7E, v7;
	v8 =	vmul.f32 v6, v8;
	v4 =	vmul.f32 v6, v4  }
0xe6: {  	v6 =	vor.u32 $0x7F, v7;
	[tilespmem:v1+s2+$0x0] =	vst.idx.msk $0xffff, v5;
	v1 =	vmov v9  }
0xe7: {  	v5 =	vor.u32 $0x7C, v7;
	[tilespmem:v2+s2+$0x0] =	vst.idx.msk $0xffff, v8;
	v2 =	vmov v10  }
0xe8: {  	[tilespmem:v3+s2+$0x0] =	vst.idx.msk $0xffff, v4;
	v3 =	vmov v6  }
0xe9: {  	v7 =	vld.idx.msk [tilespmem:v9+s2+$0x0], $0xffff  }
0xea: {  	v8 =	vld.idx.msk [tilespmem:v10+s2+$0x0], $0xffff  }
0xeb: {  	v4 =	vld.idx.msk [tilespmem:v6+s2+$0x0], $0xffff  }
0xec: {  	v5 =	vld.idx.msk [tilespmem:v5+s2+$0x0], $0xffff;
	_ =	sdelay $0x2  }
0xed: {  	(erf) = vrcp.f32 v7;
	_ =	sdelay $0x8  }
0xee: {  	v6 =	vpop (erf)  }
0xef: {  	v6 =	vadd.f32 $-1.000000000e+00, v6;
	_ =	sdelay $0x1  }
0xf0: {  	(erf) = vrcp.f32 v6;
	_ =	sdelay $0x1  }
0xf1: {  	(erf) = vrcp.f32 v8;
	_ =	sdelay $0x6  }
.Ltmp3:
0xf2: {  	v6 =	vpop (erf);
	(pc) =	sbr.rel @p0 .LBB2_8-.Ltmp3, $4  }
0xf3: {  	v5 =	vmul.f32 v6, v5  }
0xf4: {  	v6 =	vpop (erf)  }
0xf5: {  	v7 =	vmov s24;
	v6 =	vmul.f32 v5, v6  }
0xf6: {  	s24 =	sadd.s32 $0x10, s24;
	v7 =	vshll.u32 v7, $0x7  }
0xf7: {  	_ = 	snop  }
0xf8: {  	v7 =	vor.u32 v0, v7;
	v6 =	vsub.f32 v6, v5;
	v8 =	vsub.f32 $1.000000000e+00, v4  }
0xf9: {  	v9 =	vor.u32 $0x7D, v7  }
0xfa: {  	v8 =	vmul.f32 v6, v8  }
0xfb: {  	[tilespmem:v1+s2+$0x0] =	vst.idx.msk $0xffff, v5;
	v58 =	vmul.f32 v6, v4  }
0xfc: {  	[tilespmem:v2+s2+$0x0] =	vst.idx.msk $0xffff, v8  }
0xfd: {  	[tilespmem:v3+s2+$0x0] =	vst.idx.msk $0xffff, v58  }
0xfe: {  	v1 =	vld.idx.msk [tilespmem:v9+s2+$0x0], $0xffff;
	_ =	sdelay $0x4  }
0xff: {  	(erf) = vrcp.f32 v1;
	_ =	sdelay $0x3  }
0x100: {  	v1 =	vor.u32 $0x7E, v7;
	_ =	sdelay $0x4  }
0x101: {  	v2 =	vld.idx.msk [tilespmem:v1+s2+$0x0], $0xffff;
	v3 =	vpop (erf)  }
0x102: {  	v3 =	vadd.f32 $-1.000000000e+00, v3;
	_ =	sdelay $0x1  }
0x103: {  	v59 =	vor.u32 $0x7C, v7;
	(erf) = vrcp.f32 v3;
	_ =	sdelay $0x1  }
0x104: {  	(erf) = vrcp.f32 v2;
	_ =	sdelay $0x1  }
0x105: {  	v2 =	vor.u32 $0x7F, v7  }
0x106: {  	v3 =	vld.idx.msk [tilespmem:v59+s2+$0x0], $0xffff;
	_ =	sdelay $0x3  }
0x107: {  	v60 =	vld.idx.msk [tilespmem:v2+s2+$0x0], $0xffff;
	v61 =	vpop (erf)  }
0x108: {  	v3 =	vmul.f32 v61, v3  }
0x109: {  	v62 =	vpop (erf)  }
0x10a: {  	v5 =	vmul.f32 v3, v62;
	_ =	sdelay $0x1  }
0x10b: {  	v63 =	vsub.f32 $1.000000000e+00, v60;
	v5 =	vsub.f32 v5, v3;
	_ =	sdelay $0x1  }
0x10c: {  	v6 =	vmul.f32 v5, v63  }
0x10d: {  	[tilespmem:v9+s2+$0x0] =	vst.idx.msk $0xffff, v3;
	v4 =	vmul.f32 v5, v60  }
0x10e: {  	[tilespmem:v1+s2+$0x0] =	vst.idx.msk $0xffff, v6  }
0x10f: {  	[tilespmem:v2+s2+$0x0] =	vst.idx.msk $0xffff, v4  }
0x110: {  	[hbm4b:s10+s2] =	stream.linear.scatter [tilespmem:s14], [sflag:$0x8], $0x4000, $0x38;
	[tilespmem:$0x10000] =	vst v63  }
0x111: {  	_ =	swait.ge [sflag:s19], $0x4000  }
0x112: {  	[sflag:s19] =	ssyncset.done $0x0  }
0x113: {  	[sflag:s19] =	ssyncadd.s32 $0xFFFFC000  }
0x114: {  	_ =	swait.ge [sflag:s20], $0x4000  }
0x115: {  	[sflag:s20] =	ssyncset.done $0x0  }
0x116: {  	s23 =	sadd.s32 $0x1, s23;
	[sflag:s20] =	ssyncadd.s32 $0xFFFFC000  }
0x117: {  	p0 =	sne.s32 s23, s11;
	_ =	swait.ge [sflag:s21], $0x4000  }
.Ltmp4:
0x118: {  	[sflag:s21] =	ssyncset.done $0x0;
	(pc) =	sbr.rel @p0 .LBB2_1-.Ltmp4, $4  }
0x119: {  	[sflag:s21] =	ssyncadd.s32 $0xFFFFC000  }
0x11a: {  	_ =	swait.ge [sflag:s22], $0x4000  }
0x11b: {  	[sflag:s22] =	ssyncset.done $0x0  }
0x11c: {  	[sflag:s22] =	ssyncadd.s32 $0xFFFFC000  }
0x11d: {  	_ =	sfence.sel $0x180000  }
0x11e: {  	[bflag:$0x0] =	sbarrier.arrive $0xFFFF  }
0x11f: {  	p0 =	sne.s32 s1, $0x0;
	_ =	strace $0x90000047  }
0x120: {  	s0 =	sadd.s32 @!p0 $0x100000, s0;
	[bflag:$0x2] =	sbarrier.arrive $0xFFFF  }
0x121: {  	[sflag:s0] =	ssyncadd.tile.s32 @!p0 $0x1;
	_ =	shalt  }
.Lfunc_end2:
_tile_overlayer_lowered:
.L_overlay_start_2:
0x122: {  	(tag) =	ssettag $0x2  }
0x123: {  	s0 =	rddreg [dreg:$0x0];
	s2 =	stileid.u32  }
0x124: {  	s1 =	rddreg [dreg:$0x1];
	p0 =	sne.s32 s2, $0x0  }
0x125: {  	s3 =	rddreg [dreg:$0x2];
	[bflag:$0x3] =	sbarrier.arrive $0xFFFF;
	s2 =	simm.s32 @!p0 $0x1C09  }
0x126: {  	[timem:s3], [sflag:s2] =	dma.local @!p0 [hbm:s0], s1  }
0x127: {  	s0 =	simm.s32 @!p0 $0x9  }
0x128: {  	_ =	swait.ge @!p0 [sflag:s0], s1  }
0x129: {  	s1 =	ssub.s32 @!p0 $0x0, s1;
	[sflag:s0] =	ssyncset.done @!p0 $0x0  }
0x12a: {  	[sflag:s0] =	ssyncadd.s32 @!p0 s1  }
0x12b: {  	[bflag:$0x3] =	sbarrier.arrive $0xFFFF  }
0x12c: {  	_ =	shalt  }

</sc_bundles>
